<compile_context>
chip_gen: v7x
topology: tpu7x:2x2x1
jax: 0.10.2.dev20260603
libtpu: 0.0.44.dev20260713+nightly
codegen_flags: <defaults>
</compile_context>

<pallas_src>
import functools

import jax
import jax.numpy as jnp
from jax import lax
from jax.experimental import pallas as pl
from jax.experimental.pallas import tpu as pltpu
from jax.experimental.pallas import tpu_sc as plsc

_B = 128
_V = 100000
_L = 16
_RB = 8
_ROWS_PER_SUBCORE = 16
_ACTIVE_SUBCORES = _B // _ROWS_PER_SUBCORE

def _sc_gather(tab, target):
    nc = plsc.get_sparse_core_info().num_cores

    def body(tab_hbm, tgt_hbm, t_hbm, tgt_v, pad_v, t_v, sem):
        wid = lax.axis_index("s") * nc + lax.axis_index("c")

        @pl.when(wid < _ACTIVE_SUBCORES)
        def _():
            base = wid * _ROWS_PER_SUBCORE
            pltpu.sync_copy(tgt_hbm.at[pl.ds(base, _ROWS_PER_SUBCORE)], tgt_v)
            tv = tgt_v[...]
            copies = []
            for r in range(_ROWS_PER_SUBCORE):
                c_al = (tv[r] // 8) * 8
                copies.append(pltpu.async_copy(
                    tab_hbm.at[base + r, pl.ds(c_al, 8)],
                    pad_v.at[pl.ds(r * 8, 8)], sem))
            for c in copies:
                c.wait()
            idx = lax.iota(jnp.int32, _L) * 8 + lax.bitwise_and(tgt_v[...], 7)
            t_v[...] = plsc.load_gather(pad_v, [idx])
            pltpu.sync_copy(t_v, t_hbm.at[pl.ds(base, _ROWS_PER_SUBCORE)])

    mesh = plsc.VectorSubcoreMesh(core_axis_name="c", subcore_axis_name="s")
    k = pl.kernel(
        body,
        mesh=mesh,
        out_type=jax.ShapeDtypeStruct((_B,), jnp.float32),
        scratch_types=[
            pltpu.VMEM((_L,), jnp.int32),
            pltpu.VMEM((_L * 8,), jnp.float32),
            pltpu.VMEM((_L,), jnp.float32),
            pltpu.SemaphoreType.DMA,
        ],
        compiler_params=pltpu.CompilerParams(
            use_tc_tiling_on_sc=True, needs_layout_passes=False),
    )
    return k(tab, target)


_NSPLIT = 4


def _count_body(tgt_ref, t_ref, *refs):
    b = pl.program_id(0)
    x_refs, out_ref = refs[:_NSPLIT], refs[_NSPLIT]
    t = t_ref[...]
    tgt = tgt_ref[...]
    col = lax.broadcasted_iota(jnp.int32, (_RB, _V), 1)
    part = None
    for p in range(_NSPLIT):
        x = x_refs[p][...]
        tp = t[p * _RB:(p + 1) * _RB]
        tgtp = tgt[p * _RB:(p + 1) * _RB]
        pred = (x > tp) | ((x == tp) & (col < tgtp))
        rank = jnp.sum(pred.astype(jnp.float32), axis=1, keepdims=True)
        apk = ((rank == 0.0).astype(jnp.float32)
               + (rank == 1.0).astype(jnp.float32) * 0.5
               + (rank == 2.0).astype(jnp.float32) * (1.0 / 3.0))
        s = jnp.sum(apk, axis=(0, 1), keepdims=True)
        part = s if part is None else part + s
    part = part * (1.0 / _B)

    @pl.when(b == 0)
    def _():
        out_ref[...] = part

    @pl.when(b != 0)
    def _():
        out_ref[...] += part


def _tc_count(x, t, target):
    rows_per_step = _RB * _NSPLIT
    grid = _B // rows_per_step
    x_specs = [
        pl.BlockSpec((_RB, _V), lambda b, p=p: (_NSPLIT * b + p, 0))
        for p in range(_NSPLIT)
    ]
    return pl.pallas_call(
        _count_body,
        grid=(grid,),
        in_specs=[
            pl.BlockSpec((rows_per_step, 1), lambda b: (b, 0)),
            pl.BlockSpec((rows_per_step, 1), lambda b: (b, 0)),
            *x_specs,
        ],
        out_specs=pl.BlockSpec((1, 1), lambda b: (0, 0)),
        out_shape=jax.ShapeDtypeStruct((1, 1), jnp.float32),
        compiler_params=pltpu.CompilerParams(
            dimension_semantics=("arbitrary",),
            vmem_limit_bytes=100 * 1024 * 1024,
        ),
    )(target, t, *([x] * _NSPLIT))


def kernel(input, target):
    t = _sc_gather(input, target)
    res = _tc_count(input, t.reshape(_B, 1), target.reshape(_B, 1))
    return res[0, 0]

# --- scband reference (transcript-rebuilt; emitter-appended) ---
"""Pipeline reference for scband-mapk-32031866094296 (READ-ONLY COPY).

The authoritative reference and input builder live on the scoring server;
editing this copy changes nothing except your own understanding.
"""

import jax, jax.numpy as jnp
import numpy as np

TOPK = 3
BATCH = 128
VOCAB = 100000


def setup_inputs(seed: int = 0) -> dict:
    key = jax.random.key(seed)
    k1, k2 = jax.random.split(key)
    inp = jax.random.normal(k1, (BATCH, VOCAB), dtype=jnp.float32)
    target = jax.random.randint(k2, (BATCH,), 0, VOCAB, dtype=jnp.int32)
    return {"input": inp, "target": target}


def reference(input, target):
    # torch: _, predictions = input.topk(self.topk, dim=1, sorted=True)
    _, predictions = jax.lax.top_k(input, TOPK)  # sorted descending, shape [B, TOPK]
    # apk_v = torch.eq(target, predictions[:, 0]).float()
    apk_v = jnp.equal(target, predictions[:, 0]).astype(jnp.float32)
    for k in range(1, TOPK):
        apk_v = apk_v + jnp.equal(target, predictions[:, k]).astype(jnp.float32) / (k + 1)
    return jnp.mean(apk_v)

if __name__ == "__main__":
    import jax
    _d = setup_inputs()
    print(jax.jit(kernel)(*tuple(_d.values())))

</pallas_src>

<mosaic_0001>
#map = affine_map<(d0, d1) -> (0, 0)>
#map1 = affine_map<(d0, d1) -> (0)>
module attributes {stable_mosaic.version = 14 : i64} {
  func.func @body(%arg0: i32, %arg1: i32, %arg2: memref<128x100000xf32, #tpu.memory_space<hbm>>, %arg3: memref<128xi32, #tpu.memory_space<hbm>>, %arg4: memref<128xf32, #tpu.memory_space<hbm>>, %arg5: memref<16xi32, #tpu.memory_space<vmem>>, %arg6: memref<128xf32, #tpu.memory_space<vmem>>, %arg7: memref<16xf32, #tpu.memory_space<vmem>>, %arg8: memref<!tpu.dma_semaphore, #tpu.memory_space<semaphore_mem>>) attributes {dimension_semantics = [#tpu.dimension_semantics<core_parallel>, #tpu.dimension_semantics<subcore_parallel>], iteration_bounds = array<i64: 2, 16>, scalar_prefetch = 0 : i64, scratch_operands = 4 : i64, tpu.core_type = #tpu.core_type<sc_vector_subcore>, window_params = [{transform_indices = #map}, {transform_indices = #map1}, {transform_indices = #map1}]} {
    %mul3A = arith.constant 2 : i32
    %mul3A_0 = arith.muli %arg1, %mul3A : i32
    %add3A = arith.addi %mul3A_0, %arg0 : i32
    %lt3A = arith.constant 8 : i32
    %lt3A_1 = arith.cmpi slt, %add3A, %lt3A : i32
    %convert_element_type3A = arith.extui %lt3A_1 : i1 to i32
    %cond3A = arith.constant 0 : i32
    %cond3A_2 = arith.cmpi ne, %convert_element_type3A, %cond3A : i32
    scf.if %cond3A_2 {
      %mul3A_3 = arith.constant 16 : i32
      %mul3A_4 = arith.muli %add3A, %mul3A_3 : i32
      "tpu.region"() ({
        %run_scoped3A = tpu.sem_alloc : memref<!tpu.dma_semaphore, #tpu.memory_space<semaphore_mem>>
        %dma_start3A_740 = tpu.memref_slice %arg3[%mul3A_4] : memref<128xi32, #tpu.memory_space<hbm>> -> memref<16xi32, #tpu.memory_space<hbm>>
        %dma_start3A_741 = tpu.memref_slice %arg3[%mul3A_4] : memref<128xi32, #tpu.memory_space<hbm>> -> memref<16xi32, #tpu.memory_space<hbm>>
        tpu.enqueue_dma source(%dma_start3A_741 : memref<16xi32, #tpu.memory_space<hbm>>) target(%arg5 : memref<16xi32, #tpu.memory_space<vmem>>) target_semaphore(%run_scoped3A : memref<!tpu.dma_semaphore, #tpu.memory_space<semaphore_mem>>)
        %dma_wait3A_742 = tpu.memref_slice %arg3[%mul3A_4] : memref<128xi32, #tpu.memory_space<hbm>> -> memref<16xi32, #tpu.memory_space<hbm>>
        %dma_wait3A_743 = tpu.memref_slice %arg3[%mul3A_4] : memref<128xi32, #tpu.memory_space<hbm>> -> memref<16xi32, #tpu.memory_space<hbm>>
        tpu.wait_dma2 semaphore(%run_scoped3A : memref<!tpu.dma_semaphore, #tpu.memory_space<semaphore_mem>>) src(%dma_wait3A_743 : memref<16xi32, #tpu.memory_space<hbm>>) dst(%arg5 : memref<16xi32, #tpu.memory_space<vmem>>)
        tpu.yield
      }) : () -> ()
      %get3A = arith.constant 0 : index
      %get3A_5 = tpu.vector_load %arg5[%get3A] {strides = array<i32>} : memref<16xi32, #tpu.memory_space<vmem>>, vector<16xi32>,
      %slice3A = vector.extract_strided_slice %get3A_5 {offsets = [0], sizes = [1], strides = [1]} : vector<16xi32> to vector<1xi32>
      %squeeze3A = vector.extract %slice3A[0] : i32 from vector<1xi32>
      %jit3A = arith.constant 8 : i32
      %div3A = arith.divsi %squeeze3A, %jit3A : i32
      %sign3A = arith.constant 0 : i32
      %sign3A_6 = arith.cmpi sgt, %squeeze3A, %sign3A : i32
      %sign3A_7 = arith.extui %sign3A_6 : i1 to i32
      %sign3A_8 = arith.constant 0 : i32
      %sign3A_9 = arith.cmpi slt, %squeeze3A, %sign3A_8 : i32
      %sign3A_10 = arith.extui %sign3A_9 : i1 to i32
      %sign3A_11 = arith.subi %sign3A_7, %sign3A_10 : i32
      %sign3A_12 = arith.constant 0 : i32
      %sign3A_13 = arith.cmpi sgt, %jit3A, %sign3A_12 : i32
      %sign3A_14 = arith.extui %sign3A_13 : i1 to i32
      %sign3A_15 = arith.constant 0 : i32
      %sign3A_16 = arith.cmpi slt, %jit3A, %sign3A_15 : i32
      %sign3A_17 = arith.extui %sign3A_16 : i1 to i32
      %sign3A_18 = arith.subi %sign3A_14, %sign3A_17 : i32
      %ne3A = arith.cmpi ne, %sign3A_11, %sign3A_18 : i32
      %rem3A = arith.remsi %squeeze3A, %jit3A : i32
      %ne3A_19 = arith.constant 0 : i32
      %ne3A_20 = arith.cmpi ne, %rem3A, %ne3A_19 : i32
      %and3A = arith.andi %ne3A, %ne3A_20 : i1
      %sub3A = arith.constant 1 : i32
      %sub3A_21 = arith.subi %div3A, %sub3A : i32
      %select_n3A = arith.select %and3A, %sub3A_21, %div3A : i32
      %mul3A_22 = arith.constant 8 : i32
      %mul3A_23 = arith.muli %select_n3A, %mul3A_22 : i32
      %add3A_24 = arith.constant 0 : i32
      %add3A_25 = arith.addi %mul3A_4, %add3A_24 : i32
      %dma_start3A = arith.constant 0 : i32
      %dma_start3A_26 = tpu.memref_slice %arg6[%dma_start3A] : memref<128xf32, #tpu.memory_space<vmem>> -> memref<8xf32, #tpu.memory_space<vmem>>
      %dma_start3A_27 = tpu.memref_slice %arg2[%add3A_25, %mul3A_23] : memref<128x100000xf32, #tpu.memory_space<hbm>> -> memref<1x8xf32, #tpu.memory_space<hbm>>
      %dma_start3A_28 = tpu.memref_squeeze %dma_start3A_27 : memref<1x8xf32, #tpu.memory_space<hbm>> -> memref<8xf32, #tpu.memory_space<hbm>>
      %dma_start3A_29 = arith.constant 0 : i32
      %dma_start3A_30 = tpu.memref_slice %arg6[%dma_start3A_29] : memref<128xf32, #tpu.memory_space<vmem>> -> memref<8xf32, #tpu.memory_space<vmem>>
      %dma_start3A_31 = tpu.memref_slice %arg2[%add3A_25, %mul3A_23] : memref<128x100000xf32, #tpu.memory_space<hbm>> -> memref<1x8xf32, #tpu.memory_space<hbm>>
      %dma_start3A_32 = tpu.memref_squeeze %dma_start3A_31 : memref<1x8xf32, #tpu.memory_space<hbm>> -> memref<8xf32, #tpu.memory_space<hbm>>
      tpu.enqueue_dma source(%dma_start3A_32 : memref<8xf32, #tpu.memory_space<hbm>>) target(%dma_start3A_30 : memref<8xf32, #tpu.memory_space<vmem>>) target_semaphore(%arg8 : memref<!tpu.dma_semaphore, #tpu.memory_space<semaphore_mem>>)
      %slice3A_33 = vector.extract_strided_slice %get3A_5 {offsets = [1], sizes = [1], strides = [1]} : vector<16xi32> to vector<1xi32>
      %squeeze3A_34 = vector.extract %slice3A_33[0] : i32 from vector<1xi32>
      %jit3A_35 = arith.constant 8 : i32
      %div3A_36 = arith.divsi %squeeze3A_34, %jit3A_35 : i32
      %sign3A_37 = arith.constant 0 : i32
      %sign3A_38 = arith.cmpi sgt, %squeeze3A_34, %sign3A_37 : i32
      %sign3A_39 = arith.extui %sign3A_38 : i1 to i32
      %sign3A_40 = arith.constant 0 : i32
      %sign3A_41 = arith.cmpi slt, %squeeze3A_34, %sign3A_40 : i32
      %sign3A_42 = arith.extui %sign3A_41 : i1 to i32
      %sign3A_43 = arith.subi %sign3A_39, %sign3A_42 : i32
      %sign3A_44 = arith.constant 0 : i32
      %sign3A_45 = arith.cmpi sgt, %jit3A_35, %sign3A_44 : i32
      %sign3A_46 = arith.extui %sign3A_45 : i1 to i32
      %sign3A_47 = arith.constant 0 : i32
      %sign3A_48 = arith.cmpi slt, %jit3A_35, %sign3A_47 : i32
      %sign3A_49 = arith.extui %sign3A_48 : i1 to i32
      %sign3A_50 = arith.subi %sign3A_46, %sign3A_49 : i32
      %ne3A_51 = arith.cmpi ne, %sign3A_43, %sign3A_50 : i32
      %rem3A_52 = arith.remsi %squeeze3A_34, %jit3A_35 : i32
      %ne3A_53 = arith.constant 0 : i32
      %ne3A_54 = arith.cmpi ne, %rem3A_52, %ne3A_53 : i32
      %and3A_55 = arith.andi %ne3A_51, %ne3A_54 : i1
      %sub3A_56 = arith.constant 1 : i32
      %sub3A_57 = arith.subi %div3A_36, %sub3A_56 : i32
      %select_n3A_58 = arith.select %and3A_55, %sub3A_57, %div3A_36 : i32
      %mul3A_59 = arith.constant 8 : i32
      %mul3A_60 = arith.muli %select_n3A_58, %mul3A_59 : i32
      %add3A_61 = arith.constant 1 : i32
      %add3A_62 = arith.addi %mul3A_4, %add3A_61 : i32
      %dma_start3A_63 = arith.constant 8 : i32
      %dma_start3A_64 = tpu.memref_slice %arg6[%dma_start3A_63] : memref<128xf32, #tpu.memory_space<vmem>> -> memref<8xf32, #tpu.memory_space<vmem>>
      %dma_start3A_65 = tpu.memref_slice %arg2[%add3A_62, %mul3A_60] : memref<128x100000xf32, #tpu.memory_space<hbm>> -> memref<1x8xf32, #tpu.memory_space<hbm>>
      %dma_start3A_66 = tpu.memref_squeeze %dma_start3A_65 : memref<1x8xf32, #tpu.memory_space<hbm>> -> memref<8xf32, #tpu.memory_space<hbm>>
      %dma_start3A_67 = arith.constant 8 : i32
      %dma_start3A_68 = tpu.memref_slice %arg6[%dma_start3A_67] : memref<128xf32, #tpu.memory_space<vmem>> -> memref<8xf32, #tpu.memory_space<vmem>>
      %dma_start3A_69 = tpu.memref_slice %arg2[%add3A_62, %mul3A_60] : memref<128x100000xf32, #tpu.memory_space<hbm>> -> memref<1x8xf32, #tpu.memory_space<hbm>>
      %dma_start3A_70 = tpu.memref_squeeze %dma_start3A_69 : memref<1x8xf32, #tpu.memory_space<hbm>> -> memref<8xf32, #tpu.memory_space<hbm>>
      tpu.enqueue_dma source(%dma_start3A_70 : memref<8xf32, #tpu.memory_space<hbm>>) target(%dma_start3A_68 : memref<8xf32, #tpu.memory_space<vmem>>) target_semaphore(%arg8 : memref<!tpu.dma_semaphore, #tpu.memory_space<semaphore_mem>>)
      %slice3A_71 = vector.extract_strided_slice %get3A_5 {offsets = [2], sizes = [1], strides = [1]} : vector<16xi32> to vector<1xi32>
      %squeeze3A_72 = vector.extract %slice3A_71[0] : i32 from vector<1xi32>
      %jit3A_73 = arith.constant 8 : i32
      %div3A_74 = arith.divsi %squeeze3A_72, %jit3A_73 : i32
      %sign3A_75 = arith.constant 0 : i32
      %sign3A_76 = arith.cmpi sgt, %squeeze3A_72, %sign3A_75 : i32
      %sign3A_77 = arith.extui %sign3A_76 : i1 to i32
      %sign3A_78 = arith.constant 0 : i32
      %sign3A_79 = arith.cmpi slt, %squeeze3A_72, %sign3A_78 : i32
      %sign3A_80 = arith.extui %sign3A_79 : i1 to i32
      %sign3A_81 = arith.subi %sign3A_77, %sign3A_80 : i32
      %sign3A_82 = arith.constant 0 : i32
      %sign3A_83 = arith.cmpi sgt, %jit3A_73, %sign3A_82 : i32
      %sign3A_84 = arith.extui %sign3A_83 : i1 to i32
      %sign3A_85 = arith.constant 0 : i32
      %sign3A_86 = arith.cmpi slt, %jit3A_73, %sign3A_85 : i32
      %sign3A_87 = arith.extui %sign3A_86 : i1 to i32
      %sign3A_88 = arith.subi %sign3A_84, %sign3A_87 : i32
      %ne3A_89 = arith.cmpi ne, %sign3A_81, %sign3A_88 : i32
      %rem3A_90 = arith.remsi %squeeze3A_72, %jit3A_73 : i32
      %ne3A_91 = arith.constant 0 : i32
      %ne3A_92 = arith.cmpi ne, %rem3A_90, %ne3A_91 : i32
      %and3A_93 = arith.andi %ne3A_89, %ne3A_92 : i1
      %sub3A_94 = arith.constant 1 : i32
      %sub3A_95 = arith.subi %div3A_74, %sub3A_94 : i32
      %select_n3A_96 = arith.select %and3A_93, %sub3A_95, %div3A_74 : i32
      %mul3A_97 = arith.constant 8 : i32
      %mul3A_98 = arith.muli %select_n3A_96, %mul3A_97 : i32
      %add3A_99 = arith.constant 2 : i32
      %add3A_100 = arith.addi %mul3A_4, %add3A_99 : i32
      %dma_start3A_101 = arith.constant 16 : i32
      %dma_start3A_102 = tpu.memref_slice %arg6[%dma_start3A_101] : memref<128xf32, #tpu.memory_space<vmem>> -> memref<8xf32, #tpu.memory_space<vmem>>
      %dma_start3A_103 = tpu.memref_slice %arg2[%add3A_100, %mul3A_98] : memref<128x100000xf32, #tpu.memory_space<hbm>> -> memref<1x8xf32, #tpu.memory_space<hbm>>
      %dma_start3A_104 = tpu.memref_squeeze %dma_start3A_103 : memref<1x8xf32, #tpu.memory_space<hbm>> -> memref<8xf32, #tpu.memory_space<hbm>>
      %dma_start3A_105 = arith.constant 16 : i32
      %dma_start3A_106 = tpu.memref_slice %arg6[%dma_start3A_105] : memref<128xf32, #tpu.memory_space<vmem>> -> memref<8xf32, #tpu.memory_space<vmem>>
      %dma_start3A_107 = tpu.memref_slice %arg2[%add3A_100, %mul3A_98] : memref<128x100000xf32, #tpu.memory_space<hbm>> -> memref<1x8xf32, #tpu.memory_space<hbm>>
      %dma_start3A_108 = tpu.memref_squeeze %dma_start3A_107 : memref<1x8xf32, #tpu.memory_space<hbm>> -> memref<8xf32, #tpu.memory_space<hbm>>
      tpu.enqueue_dma source(%dma_start3A_108 : memref<8xf32, #tpu.memory_space<hbm>>) target(%dma_start3A_106 : memref<8xf32, #tpu.memory_space<vmem>>) target_semaphore(%arg8 : memref<!tpu.dma_semaphore, #tpu.memory_space<semaphore_mem>>)
      %slice3A_109 = vector.extract_strided_slice %get3A_5 {offsets = [3], sizes = [1], strides = [1]} : vector<16xi32> to vector<1xi32>
      %squeeze3A_110 = vector.extract %slice3A_109[0] : i32 from vector<1xi32>
      %jit3A_111 = arith.constant 8 : i32
      %div3A_112 = arith.divsi %squeeze3A_110, %jit3A_111 : i32
      %sign3A_113 = arith.constant 0 : i32
      %sign3A_114 = arith.cmpi sgt, %squeeze3A_110, %sign3A_113 : i32
      %sign3A_115 = arith.extui %sign3A_114 : i1 to i32
      %sign3A_116 = arith.constant 0 : i32
      %sign3A_117 = arith.cmpi slt, %squeeze3A_110, %sign3A_116 : i32
      %sign3A_118 = arith.extui %sign3A_117 : i1 to i32
      %sign3A_119 = arith.subi %sign3A_115, %sign3A_118 : i32
      %sign3A_120 = arith.constant 0 : i32
      %sign3A_121 = arith.cmpi sgt, %jit3A_111, %sign3A_120 : i32
      %sign3A_122 = arith.extui %sign3A_121 : i1 to i32
      %sign3A_123 = arith.constant 0 : i32
      %sign3A_124 = arith.cmpi slt, %jit3A_111, %sign3A_123 : i32
      %sign3A_125 = arith.extui %sign3A_124 : i1 to i32
      %sign3A_126 = arith.subi %sign3A_122, %sign3A_125 : i32
      %ne3A_127 = arith.cmpi ne, %sign3A_119, %sign3A_126 : i32
      %rem3A_128 = arith.remsi %squeeze3A_110, %jit3A_111 : i32
      %ne3A_129 = arith.constant 0 : i32
      %ne3A_130 = arith.cmpi ne, %rem3A_128, %ne3A_129 : i32
      %and3A_131 = arith.andi %ne3A_127, %ne3A_130 : i1
      %sub3A_132 = arith.constant 1 : i32
      %sub3A_133 = arith.subi %div3A_112, %sub3A_132 : i32
      %select_n3A_134 = arith.select %and3A_131, %sub3A_133, %div3A_112 : i32
      %mul3A_135 = arith.constant 8 : i32
      %mul3A_136 = arith.muli %select_n3A_134, %mul3A_135 : i32
      %add3A_137 = arith.constant 3 : i32
      %add3A_138 = arith.addi %mul3A_4, %add3A_137 : i32
      %dma_start3A_139 = arith.constant 24 : i32
      %dma_start3A_140 = tpu.memref_slice %arg6[%dma_start3A_139] : memref<128xf32, #tpu.memory_space<vmem>> -> memref<8xf32, #tpu.memory_space<vmem>>
      %dma_start3A_141 = tpu.memref_slice %arg2[%add3A_138, %mul3A_136] : memref<128x100000xf32, #tpu.memory_space<hbm>> -> memref<1x8xf32, #tpu.memory_space<hbm>>
      %dma_start3A_142 = tpu.memref_squeeze %dma_start3A_141 : memref<1x8xf32, #tpu.memory_space<hbm>> -> memref<8xf32, #tpu.memory_space<hbm>>
      %dma_start3A_143 = arith.constant 24 : i32
      %dma_start3A_144 = tpu.memref_slice %arg6[%dma_start3A_143] : memref<128xf32, #tpu.memory_space<vmem>> -> memref<8xf32, #tpu.memory_space<vmem>>
      %dma_start3A_145 = tpu.memref_slice %arg2[%add3A_138, %mul3A_136] : memref<128x100000xf32, #tpu.memory_space<hbm>> -> memref<1x8xf32, #tpu.memory_space<hbm>>
      %dma_start3A_146 = tpu.memref_squeeze %dma_start3A_145 : memref<1x8xf32, #tpu.memory_space<hbm>> -> memref<8xf32, #tpu.memory_space<hbm>>
      tpu.enqueue_dma source(%dma_start3A_146 : memref<8xf32, #tpu.memory_space<hbm>>) target(%dma_start3A_144 : memref<8xf32, #tpu.memory_space<vmem>>) target_semaphore(%arg8 : memref<!tpu.dma_semaphore, #tpu.memory_space<semaphore_mem>>)
      %slice3A_147 = vector.extract_strided_slice %get3A_5 {offsets = [4], sizes = [1], strides = [1]} : vector<16xi32> to vector<1xi32>
      %squeeze3A_148 = vector.extract %slice3A_147[0] : i32 from vector<1xi32>
      %jit3A_149 = arith.constant 8 : i32
      %div3A_150 = arith.divsi %squeeze3A_148, %jit3A_149 : i32
      %sign3A_151 = arith.constant 0 : i32
      %sign3A_152 = arith.cmpi sgt, %squeeze3A_148, %sign3A_151 : i32
      %sign3A_153 = arith.extui %sign3A_152 : i1 to i32
      %sign3A_154 = arith.constant 0 : i32
      %sign3A_155 = arith.cmpi slt, %squeeze3A_148, %sign3A_154 : i32
      %sign3A_156 = arith.extui %sign3A_155 : i1 to i32
      %sign3A_157 = arith.subi %sign3A_153, %sign3A_156 : i32
      %sign3A_158 = arith.constant 0 : i32
      %sign3A_159 = arith.cmpi sgt, %jit3A_149, %sign3A_158 : i32
      %sign3A_160 = arith.extui %sign3A_159 : i1 to i32
      %sign3A_161 = arith.constant 0 : i32
      %sign3A_162 = arith.cmpi slt, %jit3A_149, %sign3A_161 : i32
      %sign3A_163 = arith.extui %sign3A_162 : i1 to i32
      %sign3A_164 = arith.subi %sign3A_160, %sign3A_163 : i32
      %ne3A_165 = arith.cmpi ne, %sign3A_157, %sign3A_164 : i32
      %rem3A_166 = arith.remsi %squeeze3A_148, %jit3A_149 : i32
      %ne3A_167 = arith.constant 0 : i32
      %ne3A_168 = arith.cmpi ne, %rem3A_166, %ne3A_167 : i32
      %and3A_169 = arith.andi %ne3A_165, %ne3A_168 : i1
      %sub3A_170 = arith.constant 1 : i32
      %sub3A_171 = arith.subi %div3A_150, %sub3A_170 : i32
      %select_n3A_172 = arith.select %and3A_169, %sub3A_171, %div3A_150 : i32
      %mul3A_173 = arith.constant 8 : i32
      %mul3A_174 = arith.muli %select_n3A_172, %mul3A_173 : i32
      %add3A_175 = arith.constant 4 : i32
      %add3A_176 = arith.addi %mul3A_4, %add3A_175 : i32
      %dma_start3A_177 = arith.constant 32 : i32
      %dma_start3A_178 = tpu.memref_slice %arg6[%dma_start3A_177] : memref<128xf32, #tpu.memory_space<vmem>> -> memref<8xf32, #tpu.memory_space<vmem>>
      %dma_start3A_179 = tpu.memref_slice %arg2[%add3A_176, %mul3A_174] : memref<128x100000xf32, #tpu.memory_space<hbm>> -> memref<1x8xf32, #tpu.memory_space<hbm>>
      %dma_start3A_180 = tpu.memref_squeeze %dma_start3A_179 : memref<1x8xf32, #tpu.memory_space<hbm>> -> memref<8xf32, #tpu.memory_space<hbm>>
      %dma_start3A_181 = arith.constant 32 : i32
      %dma_start3A_182 = tpu.memref_slice %arg6[%dma_start3A_181] : memref<128xf32, #tpu.memory_space<vmem>> -> memref<8xf32, #tpu.memory_space<vmem>>
      %dma_start3A_183 = tpu.memref_slice %arg2[%add3A_176, %mul3A_174] : memref<128x100000xf32, #tpu.memory_space<hbm>> -> memref<1x8xf32, #tpu.memory_space<hbm>>
      %dma_start3A_184 = tpu.memref_squeeze %dma_start3A_183 : memref<1x8xf32, #tpu.memory_space<hbm>> -> memref<8xf32, #tpu.memory_space<hbm>>
      tpu.enqueue_dma source(%dma_start3A_184 : memref<8xf32, #tpu.memory_space<hbm>>) target(%dma_start3A_182 : memref<8xf32, #tpu.memory_space<vmem>>) target_semaphore(%arg8 : memref<!tpu.dma_semaphore, #tpu.memory_space<semaphore_mem>>)
      %slice3A_185 = vector.extract_strided_slice %get3A_5 {offsets = [5], sizes = [1], strides = [1]} : vector<16xi32> to vector<1xi32>
      %squeeze3A_186 = vector.extract %slice3A_185[0] : i32 from vector<1xi32>
      %jit3A_187 = arith.constant 8 : i32
      %div3A_188 = arith.divsi %squeeze3A_186, %jit3A_187 : i32
      %sign3A_189 = arith.constant 0 : i32
      %sign3A_190 = arith.cmpi sgt, %squeeze3A_186, %sign3A_189 : i32
      %sign3A_191 = arith.extui %sign3A_190 : i1 to i32
      %sign3A_192 = arith.constant 0 : i32
      %sign3A_193 = arith.cmpi slt, %squeeze3A_186, %sign3A_192 : i32
      %sign3A_194 = arith.extui %sign3A_193 : i1 to i32
      %sign3A_195 = arith.subi %sign3A_191, %sign3A_194 : i32
      %sign3A_196 = arith.constant 0 : i32
      %sign3A_197 = arith.cmpi sgt, %jit3A_187, %sign3A_196 : i32
      %sign3A_198 = arith.extui %sign3A_197 : i1 to i32
      %sign3A_199 = arith.constant 0 : i32
      %sign3A_200 = arith.cmpi slt, %jit3A_187, %sign3A_199 : i32
      %sign3A_201 = arith.extui %sign3A_200 : i1 to i32
      %sign3A_202 = arith.subi %sign3A_198, %sign3A_201 : i32
      %ne3A_203 = arith.cmpi ne, %sign3A_195, %sign3A_202 : i32
      %rem3A_204 = arith.remsi %squeeze3A_186, %jit3A_187 : i32
      %ne3A_205 = arith.constant 0 : i32
      %ne3A_206 = arith.cmpi ne, %rem3A_204, %ne3A_205 : i32
      %and3A_207 = arith.andi %ne3A_203, %ne3A_206 : i1
      %sub3A_208 = arith.constant 1 : i32
      %sub3A_209 = arith.subi %div3A_188, %sub3A_208 : i32
      %select_n3A_210 = arith.select %and3A_207, %sub3A_209, %div3A_188 : i32
      %mul3A_211 = arith.constant 8 : i32
      %mul3A_212 = arith.muli %select_n3A_210, %mul3A_211 : i32
      %add3A_213 = arith.constant 5 : i32
      %add3A_214 = arith.addi %mul3A_4, %add3A_213 : i32
      %dma_start3A_215 = arith.constant 40 : i32
      %dma_start3A_216 = tpu.memref_slice %arg6[%dma_start3A_215] : memref<128xf32, #tpu.memory_space<vmem>> -> memref<8xf32, #tpu.memory_space<vmem>>
      %dma_start3A_217 = tpu.memref_slice %arg2[%add3A_214, %mul3A_212] : memref<128x100000xf32, #tpu.memory_space<hbm>> -> memref<1x8xf32, #tpu.memory_space<hbm>>
      %dma_start3A_218 = tpu.memref_squeeze %dma_start3A_217 : memref<1x8xf32, #tpu.memory_space<hbm>> -> memref<8xf32, #tpu.memory_space<hbm>>
      %dma_start3A_219 = arith.constant 40 : i32
      %dma_start3A_220 = tpu.memref_slice %arg6[%dma_start3A_219] : memref<128xf32, #tpu.memory_space<vmem>> -> memref<8xf32, #tpu.memory_space<vmem>>
      %dma_start3A_221 = tpu.memref_slice %arg2[%add3A_214, %mul3A_212] : memref<128x100000xf32, #tpu.memory_space<hbm>> -> memref<1x8xf32, #tpu.memory_space<hbm>>
      %dma_start3A_222 = tpu.memref_squeeze %dma_start3A_221 : memref<1x8xf32, #tpu.memory_space<hbm>> -> memref<8xf32, #tpu.memory_space<hbm>>
      tpu.enqueue_dma source(%dma_start3A_222 : memref<8xf32, #tpu.memory_space<hbm>>) target(%dma_start3A_220 : memref<8xf32, #tpu.memory_space<vmem>>) target_semaphore(%arg8 : memref<!tpu.dma_semaphore, #tpu.memory_space<semaphore_mem>>)
      %slice3A_223 = vector.extract_strided_slice %get3A_5 {offsets = [6], sizes = [1], strides = [1]} : vector<16xi32> to vector<1xi32>
      %squeeze3A_224 = vector.extract %slice3A_223[0] : i32 from vector<1xi32>
      %jit3A_225 = arith.constant 8 : i32
      %div3A_226 = arith.divsi %squeeze3A_224, %jit3A_225 : i32
      %sign3A_227 = arith.constant 0 : i32
      %sign3A_228 = arith.cmpi sgt, %squeeze3A_224, %sign3A_227 : i32
      %sign3A_229 = arith.extui %sign3A_228 : i1 to i32
      %sign3A_230 = arith.constant 0 : i32
      %sign3A_231 = arith.cmpi slt, %squeeze3A_224, %sign3A_230 : i32
      %sign3A_232 = arith.extui %sign3A_231 : i1 to i32
      %sign3A_233 = arith.subi %sign3A_229, %sign3A_232 : i32
      %sign3A_234 = arith.constant 0 : i32
      %sign3A_235 = arith.cmpi sgt, %jit3A_225, %sign3A_234 : i32
      %sign3A_236 = arith.extui %sign3A_235 : i1 to i32
      %sign3A_237 = arith.constant 0 : i32
      %sign3A_238 = arith.cmpi slt, %jit3A_225, %sign3A_237 : i32
      %sign3A_239 = arith.extui %sign3A_238 : i1 to i32
      %sign3A_240 = arith.subi %sign3A_236, %sign3A_239 : i32
      %ne3A_241 = arith.cmpi ne, %sign3A_233, %sign3A_240 : i32
      %rem3A_242 = arith.remsi %squeeze3A_224, %jit3A_225 : i32
      %ne3A_243 = arith.constant 0 : i32
      %ne3A_244 = arith.cmpi ne, %rem3A_242, %ne3A_243 : i32
      %and3A_245 = arith.andi %ne3A_241, %ne3A_244 : i1
      %sub3A_246 = arith.constant 1 : i32
      %sub3A_247 = arith.subi %div3A_226, %sub3A_246 : i32
      %select_n3A_248 = arith.select %and3A_245, %sub3A_247, %div3A_226 : i32
      %mul3A_249 = arith.constant 8 : i32
      %mul3A_250 = arith.muli %select_n3A_248, %mul3A_249 : i32
      %add3A_251 = arith.constant 6 : i32
      %add3A_252 = arith.addi %mul3A_4, %add3A_251 : i32
      %dma_start3A_253 = arith.constant 48 : i32
      %dma_start3A_254 = tpu.memref_slice %arg6[%dma_start3A_253] : memref<128xf32, #tpu.memory_space<vmem>> -> memref<8xf32, #tpu.memory_space<vmem>>
      %dma_start3A_255 = tpu.memref_slice %arg2[%add3A_252, %mul3A_250] : memref<128x100000xf32, #tpu.memory_space<hbm>> -> memref<1x8xf32, #tpu.memory_space<hbm>>
      %dma_start3A_256 = tpu.memref_squeeze %dma_start3A_255 : memref<1x8xf32, #tpu.memory_space<hbm>> -> memref<8xf32, #tpu.memory_space<hbm>>
      %dma_start3A_257 = arith.constant 48 : i32
      %dma_start3A_258 = tpu.memref_slice %arg6[%dma_start3A_257] : memref<128xf32, #tpu.memory_space<vmem>> -> memref<8xf32, #tpu.memory_space<vmem>>
      %dma_start3A_259 = tpu.memref_slice %arg2[%add3A_252, %mul3A_250] : memref<128x100000xf32, #tpu.memory_space<hbm>> -> memref<1x8xf32, #tpu.memory_space<hbm>>
      %dma_start3A_260 = tpu.memref_squeeze %dma_start3A_259 : memref<1x8xf32, #tpu.memory_space<hbm>> -> memref<8xf32, #tpu.memory_space<hbm>>
      tpu.enqueue_dma source(%dma_start3A_260 : memref<8xf32, #tpu.memory_space<hbm>>) target(%dma_start3A_258 : memref<8xf32, #tpu.memory_space<vmem>>) target_semaphore(%arg8 : memref<!tpu.dma_semaphore, #tpu.memory_space<semaphore_mem>>)
      %slice3A_261 = vector.extract_strided_slice %get3A_5 {offsets = [7], sizes = [1], strides = [1]} : vector<16xi32> to vector<1xi32>
      %squeeze3A_262 = vector.extract %slice3A_261[0] : i32 from vector<1xi32>
      %jit3A_263 = arith.constant 8 : i32
      %div3A_264 = arith.divsi %squeeze3A_262, %jit3A_263 : i32
      %sign3A_265 = arith.constant 0 : i32
      %sign3A_266 = arith.cmpi sgt, %squeeze3A_262, %sign3A_265 : i32
      %sign3A_267 = arith.extui %sign3A_266 : i1 to i32
      %sign3A_268 = arith.constant 0 : i32
      %sign3A_269 = arith.cmpi slt, %squeeze3A_262, %sign3A_268 : i32
      %sign3A_270 = arith.extui %sign3A_269 : i1 to i32
      %sign3A_271 = arith.subi %sign3A_267, %sign3A_270 : i32
      %sign3A_272 = arith.constant 0 : i32
      %sign3A_273 = arith.cmpi sgt, %jit3A_263, %sign3A_272 : i32
      %sign3A_274 = arith.extui %sign3A_273 : i1 to i32
      %sign3A_275 = arith.constant 0 : i32
      %sign3A_276 = arith.cmpi slt, %jit3A_263, %sign3A_275 : i32
      %sign3A_277 = arith.extui %sign3A_276 : i1 to i32
      %sign3A_278 = arith.subi %sign3A_274, %sign3A_277 : i32
      %ne3A_279 = arith.cmpi ne, %sign3A_271, %sign3A_278 : i32
      %rem3A_280 = arith.remsi %squeeze3A_262, %jit3A_263 : i32
      %ne3A_281 = arith.constant 0 : i32
      %ne3A_282 = arith.cmpi ne, %rem3A_280, %ne3A_281 : i32
      %and3A_283 = arith.andi %ne3A_279, %ne3A_282 : i1
      %sub3A_284 = arith.constant 1 : i32
      %sub3A_285 = arith.subi %div3A_264, %sub3A_284 : i32
      %select_n3A_286 = arith.select %and3A_283, %sub3A_285, %div3A_264 : i32
      %mul3A_287 = arith.constant 8 : i32
      %mul3A_288 = arith.muli %select_n3A_286, %mul3A_287 : i32
      %add3A_289 = arith.constant 7 : i32
      %add3A_290 = arith.addi %mul3A_4, %add3A_289 : i32
      %dma_start3A_291 = arith.constant 56 : i32
      %dma_start3A_292 = tpu.memref_slice %arg6[%dma_start3A_291] : memref<128xf32, #tpu.memory_space<vmem>> -> memref<8xf32, #tpu.memory_space<vmem>>
      %dma_start3A_293 = tpu.memref_slice %arg2[%add3A_290, %mul3A_288] : memref<128x100000xf32, #tpu.memory_space<hbm>> -> memref<1x8xf32, #tpu.memory_space<hbm>>
      %dma_start3A_294 = tpu.memref_squeeze %dma_start3A_293 : memref<1x8xf32, #tpu.memory_space<hbm>> -> memref<8xf32, #tpu.memory_space<hbm>>
      %dma_start3A_295 = arith.constant 56 : i32
      %dma_start3A_296 = tpu.memref_slice %arg6[%dma_start3A_295] : memref<128xf32, #tpu.memory_space<vmem>> -> memref<8xf32, #tpu.memory_space<vmem>>
      %dma_start3A_297 = tpu.memref_slice %arg2[%add3A_290, %mul3A_288] : memref<128x100000xf32, #tpu.memory_space<hbm>> -> memref<1x8xf32, #tpu.memory_space<hbm>>
      %dma_start3A_298 = tpu.memref_squeeze %dma_start3A_297 : memref<1x8xf32, #tpu.memory_space<hbm>> -> memref<8xf32, #tpu.memory_space<hbm>>
      tpu.enqueue_dma source(%dma_start3A_298 : memref<8xf32, #tpu.memory_space<hbm>>) target(%dma_start3A_296 : memref<8xf32, #tpu.memory_space<vmem>>) target_semaphore(%arg8 : memref<!tpu.dma_semaphore, #tpu.memory_space<semaphore_mem>>)
      %slice3A_299 = vector.extract_strided_slice %get3A_5 {offsets = [8], sizes = [1], strides = [1]} : vector<16xi32> to vector<1xi32>
      %squeeze3A_300 = vector.extract %slice3A_299[0] : i32 from vector<1xi32>
      %jit3A_301 = arith.constant 8 : i32
      %div3A_302 = arith.divsi %squeeze3A_300, %jit3A_301 : i32
      %sign3A_303 = arith.constant 0 : i32
      %sign3A_304 = arith.cmpi sgt, %squeeze3A_300, %sign3A_303 : i32
      %sign3A_305 = arith.extui %sign3A_304 : i1 to i32
      %sign3A_306 = arith.constant 0 : i32
      %sign3A_307 = arith.cmpi slt, %squeeze3A_300, %sign3A_306 : i32
      %sign3A_308 = arith.extui %sign3A_307 : i1 to i32
      %sign3A_309 = arith.subi %sign3A_305, %sign3A_308 : i32
      %sign3A_310 = arith.constant 0 : i32
      %sign3A_311 = arith.cmpi sgt, %jit3A_301, %sign3A_310 : i32
      %sign3A_312 = arith.extui %sign3A_311 : i1 to i32
      %sign3A_313 = arith.constant 0 : i32
      %sign3A_314 = arith.cmpi slt, %jit3A_301, %sign3A_313 : i32
      %sign3A_315 = arith.extui %sign3A_314 : i1 to i32
      %sign3A_316 = arith.subi %sign3A_312, %sign3A_315 : i32
      %ne3A_317 = arith.cmpi ne, %sign3A_309, %sign3A_316 : i32
      %rem3A_318 = arith.remsi %squeeze3A_300, %jit3A_301 : i32
      %ne3A_319 = arith.constant 0 : i32
      %ne3A_320 = arith.cmpi ne, %rem3A_318, %ne3A_319 : i32
      %and3A_321 = arith.andi %ne3A_317, %ne3A_320 : i1
      %sub3A_322 = arith.constant 1 : i32
      %sub3A_323 = arith.subi %div3A_302, %sub3A_322 : i32
      %select_n3A_324 = arith.select %and3A_321, %sub3A_323, %div3A_302 : i32
      %mul3A_325 = arith.constant 8 : i32
      %mul3A_326 = arith.muli %select_n3A_324, %mul3A_325 : i32
      %add3A_327 = arith.constant 8 : i32
      %add3A_328 = arith.addi %mul3A_4, %add3A_327 : i32
      %dma_start3A_329 = arith.constant 64 : i32
      %dma_start3A_330 = tpu.memref_slice %arg6[%dma_start3A_329] : memref<128xf32, #tpu.memory_space<vmem>> -> memref<8xf32, #tpu.memory_space<vmem>>
      %dma_start3A_331 = tpu.memref_slice %arg2[%add3A_328, %mul3A_326] : memref<128x100000xf32, #tpu.memory_space<hbm>> -> memref<1x8xf32, #tpu.memory_space<hbm>>
      %dma_start3A_332 = tpu.memref_squeeze %dma_start3A_331 : memref<1x8xf32, #tpu.memory_space<hbm>> -> memref<8xf32, #tpu.memory_space<hbm>>
      %dma_start3A_333 = arith.constant 64 : i32
      %dma_start3A_334 = tpu.memref_slice %arg6[%dma_start3A_333] : memref<128xf32, #tpu.memory_space<vmem>> -> memref<8xf32, #tpu.memory_space<vmem>>
      %dma_start3A_335 = tpu.memref_slice %arg2[%add3A_328, %mul3A_326] : memref<128x100000xf32, #tpu.memory_space<hbm>> -> memref<1x8xf32, #tpu.memory_space<hbm>>
      %dma_start3A_336 = tpu.memref_squeeze %dma_start3A_335 : memref<1x8xf32, #tpu.memory_space<hbm>> -> memref<8xf32, #tpu.memory_space<hbm>>
      tpu.enqueue_dma source(%dma_start3A_336 : memref<8xf32, #tpu.memory_space<hbm>>) target(%dma_start3A_334 : memref<8xf32, #tpu.memory_space<vmem>>) target_semaphore(%arg8 : memref<!tpu.dma_semaphore, #tpu.memory_space<semaphore_mem>>)
      %slice3A_337 = vector.extract_strided_slice %get3A_5 {offsets = [9], sizes = [1], strides = [1]} : vector<16xi32> to vector<1xi32>
      %squeeze3A_338 = vector.extract %slice3A_337[0] : i32 from vector<1xi32>
      %jit3A_339 = arith.constant 8 : i32
      %div3A_340 = arith.divsi %squeeze3A_338, %jit3A_339 : i32
      %sign3A_341 = arith.constant 0 : i32
      %sign3A_342 = arith.cmpi sgt, %squeeze3A_338, %sign3A_341 : i32
      %sign3A_343 = arith.extui %sign3A_342 : i1 to i32
      %sign3A_344 = arith.constant 0 : i32
      %sign3A_345 = arith.cmpi slt, %squeeze3A_338, %sign3A_344 : i32
      %sign3A_346 = arith.extui %sign3A_345 : i1 to i32
      %sign3A_347 = arith.subi %sign3A_343, %sign3A_346 : i32
      %sign3A_348 = arith.constant 0 : i32
      %sign3A_349 = arith.cmpi sgt, %jit3A_339, %sign3A_348 : i32
      %sign3A_350 = arith.extui %sign3A_349 : i1 to i32
      %sign3A_351 = arith.constant 0 : i32
      %sign3A_352 = arith.cmpi slt, %jit3A_339, %sign3A_351 : i32
      %sign3A_353 = arith.extui %sign3A_352 : i1 to i32
      %sign3A_354 = arith.subi %sign3A_350, %sign3A_353 : i32
      %ne3A_355 = arith.cmpi ne, %sign3A_347, %sign3A_354 : i32
      %rem3A_356 = arith.remsi %squeeze3A_338, %jit3A_339 : i32
      %ne3A_357 = arith.constant 0 : i32
      %ne3A_358 = arith.cmpi ne, %rem3A_356, %ne3A_357 : i32
      %and3A_359 = arith.andi %ne3A_355, %ne3A_358 : i1
      %sub3A_360 = arith.constant 1 : i32
      %sub3A_361 = arith.subi %div3A_340, %sub3A_360 : i32
      %select_n3A_362 = arith.select %and3A_359, %sub3A_361, %div3A_340 : i32
      %mul3A_363 = arith.constant 8 : i32
      %mul3A_364 = arith.muli %select_n3A_362, %mul3A_363 : i32
      %add3A_365 = arith.constant 9 : i32
      %add3A_366 = arith.addi %mul3A_4, %add3A_365 : i32
      %dma_start3A_367 = arith.constant 72 : i32
      %dma_start3A_368 = tpu.memref_slice %arg6[%dma_start3A_367] : memref<128xf32, #tpu.memory_space<vmem>> -> memref<8xf32, #tpu.memory_space<vmem>>
      %dma_start3A_369 = tpu.memref_slice %arg2[%add3A_366, %mul3A_364] : memref<128x100000xf32, #tpu.memory_space<hbm>> -> memref<1x8xf32, #tpu.memory_space<hbm>>
      %dma_start3A_370 = tpu.memref_squeeze %dma_start3A_369 : memref<1x8xf32, #tpu.memory_space<hbm>> -> memref<8xf32, #tpu.memory_space<hbm>>
      %dma_start3A_371 = arith.constant 72 : i32
      %dma_start3A_372 = tpu.memref_slice %arg6[%dma_start3A_371] : memref<128xf32, #tpu.memory_space<vmem>> -> memref<8xf32, #tpu.memory_space<vmem>>
      %dma_start3A_373 = tpu.memref_slice %arg2[%add3A_366, %mul3A_364] : memref<128x100000xf32, #tpu.memory_space<hbm>> -> memref<1x8xf32, #tpu.memory_space<hbm>>
      %dma_start3A_374 = tpu.memref_squeeze %dma_start3A_373 : memref<1x8xf32, #tpu.memory_space<hbm>> -> memref<8xf32, #tpu.memory_space<hbm>>
      tpu.enqueue_dma source(%dma_start3A_374 : memref<8xf32, #tpu.memory_space<hbm>>) target(%dma_start3A_372 : memref<8xf32, #tpu.memory_space<vmem>>) target_semaphore(%arg8 : memref<!tpu.dma_semaphore, #tpu.memory_space<semaphore_mem>>)
      %slice3A_375 = vector.extract_strided_slice %get3A_5 {offsets = [10], sizes = [1], strides = [1]} : vector<16xi32> to vector<1xi32>
      %squeeze3A_376 = vector.extract %slice3A_375[0] : i32 from vector<1xi32>
      %jit3A_377 = arith.constant 8 : i32
      %div3A_378 = arith.divsi %squeeze3A_376, %jit3A_377 : i32
      %sign3A_379 = arith.constant 0 : i32
      %sign3A_380 = arith.cmpi sgt, %squeeze3A_376, %sign3A_379 : i32
      %sign3A_381 = arith.extui %sign3A_380 : i1 to i32
      %sign3A_382 = arith.constant 0 : i32
      %sign3A_383 = arith.cmpi slt, %squeeze3A_376, %sign3A_382 : i32
      %sign3A_384 = arith.extui %sign3A_383 : i1 to i32
      %sign3A_385 = arith.subi %sign3A_381, %sign3A_384 : i32
      %sign3A_386 = arith.constant 0 : i32
      %sign3A_387 = arith.cmpi sgt, %jit3A_377, %sign3A_386 : i32
      %sign3A_388 = arith.extui %sign3A_387 : i1 to i32
      %sign3A_389 = arith.constant 0 : i32
      %sign3A_390 = arith.cmpi slt, %jit3A_377, %sign3A_389 : i32
      %sign3A_391 = arith.extui %sign3A_390 : i1 to i32
      %sign3A_392 = arith.subi %sign3A_388, %sign3A_391 : i32
      %ne3A_393 = arith.cmpi ne, %sign3A_385, %sign3A_392 : i32
      %rem3A_394 = arith.remsi %squeeze3A_376, %jit3A_377 : i32
      %ne3A_395 = arith.constant 0 : i32
      %ne3A_396 = arith.cmpi ne, %rem3A_394, %ne3A_395 : i32
      %and3A_397 = arith.andi %ne3A_393, %ne3A_396 : i1
      %sub3A_398 = arith.constant 1 : i32
      %sub3A_399 = arith.subi %div3A_378, %sub3A_398 : i32
      %select_n3A_400 = arith.select %and3A_397, %sub3A_399, %div3A_378 : i32
      %mul3A_401 = arith.constant 8 : i32
      %mul3A_402 = arith.muli %select_n3A_400, %mul3A_401 : i32
      %add3A_403 = arith.constant 10 : i32
      %add3A_404 = arith.addi %mul3A_4, %add3A_403 : i32
      %dma_start3A_405 = arith.constant 80 : i32
      %dma_start3A_406 = tpu.memref_slice %arg6[%dma_start3A_405] : memref<128xf32, #tpu.memory_space<vmem>> -> memref<8xf32, #tpu.memory_space<vmem>>
      %dma_start3A_407 = tpu.memref_slice %arg2[%add3A_404, %mul3A_402] : memref<128x100000xf32, #tpu.memory_space<hbm>> -> memref<1x8xf32, #tpu.memory_space<hbm>>
      %dma_start3A_408 = tpu.memref_squeeze %dma_start3A_407 : memref<1x8xf32, #tpu.memory_space<hbm>> -> memref<8xf32, #tpu.memory_space<hbm>>
      %dma_start3A_409 = arith.constant 80 : i32
      %dma_start3A_410 = tpu.memref_slice %arg6[%dma_start3A_409] : memref<128xf32, #tpu.memory_space<vmem>> -> memref<8xf32, #tpu.memory_space<vmem>>
      %dma_start3A_411 = tpu.memref_slice %arg2[%add3A_404, %mul3A_402] : memref<128x100000xf32, #tpu.memory_space<hbm>> -> memref<1x8xf32, #tpu.memory_space<hbm>>
      %dma_start3A_412 = tpu.memref_squeeze %dma_start3A_411 : memref<1x8xf32, #tpu.memory_space<hbm>> -> memref<8xf32, #tpu.memory_space<hbm>>
      tpu.enqueue_dma source(%dma_start3A_412 : memref<8xf32, #tpu.memory_space<hbm>>) target(%dma_start3A_410 : memref<8xf32, #tpu.memory_space<vmem>>) target_semaphore(%arg8 : memref<!tpu.dma_semaphore, #tpu.memory_space<semaphore_mem>>)
      %slice3A_413 = vector.extract_strided_slice %get3A_5 {offsets = [11], sizes = [1], strides = [1]} : vector<16xi32> to vector<1xi32>
      %squeeze3A_414 = vector.extract %slice3A_413[0] : i32 from vector<1xi32>
      %jit3A_415 = arith.constant 8 : i32
      %div3A_416 = arith.divsi %squeeze3A_414, %jit3A_415 : i32
      %sign3A_417 = arith.constant 0 : i32
      %sign3A_418 = arith.cmpi sgt, %squeeze3A_414, %sign3A_417 : i32
      %sign3A_419 = arith.extui %sign3A_418 : i1 to i32
      %sign3A_420 = arith.constant 0 : i32
      %sign3A_421 = arith.cmpi slt, %squeeze3A_414, %sign3A_420 : i32
      %sign3A_422 = arith.extui %sign3A_421 : i1 to i32
      %sign3A_423 = arith.subi %sign3A_419, %sign3A_422 : i32
      %sign3A_424 = arith.constant 0 : i32
      %sign3A_425 = arith.cmpi sgt, %jit3A_415, %sign3A_424 : i32
      %sign3A_426 = arith.extui %sign3A_425 : i1 to i32
      %sign3A_427 = arith.constant 0 : i32
      %sign3A_428 = arith.cmpi slt, %jit3A_415, %sign3A_427 : i32
      %sign3A_429 = arith.extui %sign3A_428 : i1 to i32
      %sign3A_430 = arith.subi %sign3A_426, %sign3A_429 : i32
      %ne3A_431 = arith.cmpi ne, %sign3A_423, %sign3A_430 : i32
      %rem3A_432 = arith.remsi %squeeze3A_414, %jit3A_415 : i32
      %ne3A_433 = arith.constant 0 : i32
      %ne3A_434 = arith.cmpi ne, %rem3A_432, %ne3A_433 : i32
      %and3A_435 = arith.andi %ne3A_431, %ne3A_434 : i1
      %sub3A_436 = arith.constant 1 : i32
      %sub3A_437 = arith.subi %div3A_416, %sub3A_436 : i32
      %select_n3A_438 = arith.select %and3A_435, %sub3A_437, %div3A_416 : i32
      %mul3A_439 = arith.constant 8 : i32
      %mul3A_440 = arith.muli %select_n3A_438, %mul3A_439 : i32
      %add3A_441 = arith.constant 11 : i32
      %add3A_442 = arith.addi %mul3A_4, %add3A_441 : i32
      %dma_start3A_443 = arith.constant 88 : i32
      %dma_start3A_444 = tpu.memref_slice %arg6[%dma_start3A_443] : memref<128xf32, #tpu.memory_space<vmem>> -> memref<8xf32, #tpu.memory_space<vmem>>
      %dma_start3A_445 = tpu.memref_slice %arg2[%add3A_442, %mul3A_440] : memref<128x100000xf32, #tpu.memory_space<hbm>> -> memref<1x8xf32, #tpu.memory_space<hbm>>
      %dma_start3A_446 = tpu.memref_squeeze %dma_start3A_445 : memref<1x8xf32, #tpu.memory_space<hbm>> -> memref<8xf32, #tpu.memory_space<hbm>>
      %dma_start3A_447 = arith.constant 88 : i32
      %dma_start3A_448 = tpu.memref_slice %arg6[%dma_start3A_447] : memref<128xf32, #tpu.memory_space<vmem>> -> memref<8xf32, #tpu.memory_space<vmem>>
      %dma_start3A_449 = tpu.memref_slice %arg2[%add3A_442, %mul3A_440] : memref<128x100000xf32, #tpu.memory_space<hbm>> -> memref<1x8xf32, #tpu.memory_space<hbm>>
      %dma_start3A_450 = tpu.memref_squeeze %dma_start3A_449 : memref<1x8xf32, #tpu.memory_space<hbm>> -> memref<8xf32, #tpu.memory_space<hbm>>
      tpu.enqueue_dma source(%dma_start3A_450 : memref<8xf32, #tpu.memory_space<hbm>>) target(%dma_start3A_448 : memref<8xf32, #tpu.memory_space<vmem>>) target_semaphore(%arg8 : memref<!tpu.dma_semaphore, #tpu.memory_space<semaphore_mem>>)
      %slice3A_451 = vector.extract_strided_slice %get3A_5 {offsets = [12], sizes = [1], strides = [1]} : vector<16xi32> to vector<1xi32>
      %squeeze3A_452 = vector.extract %slice3A_451[0] : i32 from vector<1xi32>
      %jit3A_453 = arith.constant 8 : i32
      %div3A_454 = arith.divsi %squeeze3A_452, %jit3A_453 : i32
      %sign3A_455 = arith.constant 0 : i32
      %sign3A_456 = arith.cmpi sgt, %squeeze3A_452, %sign3A_455 : i32
      %sign3A_457 = arith.extui %sign3A_456 : i1 to i32
      %sign3A_458 = arith.constant 0 : i32
      %sign3A_459 = arith.cmpi slt, %squeeze3A_452, %sign3A_458 : i32
      %sign3A_460 = arith.extui %sign3A_459 : i1 to i32
      %sign3A_461 = arith.subi %sign3A_457, %sign3A_460 : i32
      %sign3A_462 = arith.constant 0 : i32
      %sign3A_463 = arith.cmpi sgt, %jit3A_453, %sign3A_462 : i32
      %sign3A_464 = arith.extui %sign3A_463 : i1 to i32
      %sign3A_465 = arith.constant 0 : i32
      %sign3A_466 = arith.cmpi slt, %jit3A_453, %sign3A_465 : i32
      %sign3A_467 = arith.extui %sign3A_466 : i1 to i32
      %sign3A_468 = arith.subi %sign3A_464, %sign3A_467 : i32
      %ne3A_469 = arith.cmpi ne, %sign3A_461, %sign3A_468 : i32
      %rem3A_470 = arith.remsi %squeeze3A_452, %jit3A_453 : i32
      %ne3A_471 = arith.constant 0 : i32
      %ne3A_472 = arith.cmpi ne, %rem3A_470, %ne3A_471 : i32
      %and3A_473 = arith.andi %ne3A_469, %ne3A_472 : i1
      %sub3A_474 = arith.constant 1 : i32
      %sub3A_475 = arith.subi %div3A_454, %sub3A_474 : i32
      %select_n3A_476 = arith.select %and3A_473, %sub3A_475, %div3A_454 : i32
      %mul3A_477 = arith.constant 8 : i32
      %mul3A_478 = arith.muli %select_n3A_476, %mul3A_477 : i32
      %add3A_479 = arith.constant 12 : i32
      %add3A_480 = arith.addi %mul3A_4, %add3A_479 : i32
      %dma_start3A_481 = arith.constant 96 : i32
      %dma_start3A_482 = tpu.memref_slice %arg6[%dma_start3A_481] : memref<128xf32, #tpu.memory_space<vmem>> -> memref<8xf32, #tpu.memory_space<vmem>>
      %dma_start3A_483 = tpu.memref_slice %arg2[%add3A_480, %mul3A_478] : memref<128x100000xf32, #tpu.memory_space<hbm>> -> memref<1x8xf32, #tpu.memory_space<hbm>>
      %dma_start3A_484 = tpu.memref_squeeze %dma_start3A_483 : memref<1x8xf32, #tpu.memory_space<hbm>> -> memref<8xf32, #tpu.memory_space<hbm>>
      %dma_start3A_485 = arith.constant 96 : i32
      %dma_start3A_486 = tpu.memref_slice %arg6[%dma_start3A_485] : memref<128xf32, #tpu.memory_space<vmem>> -> memref<8xf32, #tpu.memory_space<vmem>>
      %dma_start3A_487 = tpu.memref_slice %arg2[%add3A_480, %mul3A_478] : memref<128x100000xf32, #tpu.memory_space<hbm>> -> memref<1x8xf32, #tpu.memory_space<hbm>>
      %dma_start3A_488 = tpu.memref_squeeze %dma_start3A_487 : memref<1x8xf32, #tpu.memory_space<hbm>> -> memref<8xf32, #tpu.memory_space<hbm>>
      tpu.enqueue_dma source(%dma_start3A_488 : memref<8xf32, #tpu.memory_space<hbm>>) target(%dma_start3A_486 : memref<8xf32, #tpu.memory_space<vmem>>) target_semaphore(%arg8 : memref<!tpu.dma_semaphore, #tpu.memory_space<semaphore_mem>>)
      %slice3A_489 = vector.extract_strided_slice %get3A_5 {offsets = [13], sizes = [1], strides = [1]} : vector<16xi32> to vector<1xi32>
      %squeeze3A_490 = vector.extract %slice3A_489[0] : i32 from vector<1xi32>
      %jit3A_491 = arith.constant 8 : i32
      %div3A_492 = arith.divsi %squeeze3A_490, %jit3A_491 : i32
      %sign3A_493 = arith.constant 0 : i32
      %sign3A_494 = arith.cmpi sgt, %squeeze3A_490, %sign3A_493 : i32
      %sign3A_495 = arith.extui %sign3A_494 : i1 to i32
      %sign3A_496 = arith.constant 0 : i32
      %sign3A_497 = arith.cmpi slt, %squeeze3A_490, %sign3A_496 : i32
      %sign3A_498 = arith.extui %sign3A_497 : i1 to i32
      %sign3A_499 = arith.subi %sign3A_495, %sign3A_498 : i32
      %sign3A_500 = arith.constant 0 : i32
      %sign3A_501 = arith.cmpi sgt, %jit3A_491, %sign3A_500 : i32
      %sign3A_502 = arith.extui %sign3A_501 : i1 to i32
      %sign3A_503 = arith.constant 0 : i32
      %sign3A_504 = arith.cmpi slt, %jit3A_491, %sign3A_503 : i32
      %sign3A_505 = arith.extui %sign3A_504 : i1 to i32
      %sign3A_506 = arith.subi %sign3A_502, %sign3A_505 : i32
      %ne3A_507 = arith.cmpi ne, %sign3A_499, %sign3A_506 : i32
      %rem3A_508 = arith.remsi %squeeze3A_490, %jit3A_491 : i32
      %ne3A_509 = arith.constant 0 : i32
      %ne3A_510 = arith.cmpi ne, %rem3A_508, %ne3A_509 : i32
      %and3A_511 = arith.andi %ne3A_507, %ne3A_510 : i1
      %sub3A_512 = arith.constant 1 : i32
      %sub3A_513 = arith.subi %div3A_492, %sub3A_512 : i32
      %select_n3A_514 = arith.select %and3A_511, %sub3A_513, %div3A_492 : i32
      %mul3A_515 = arith.constant 8 : i32
      %mul3A_516 = arith.muli %select_n3A_514, %mul3A_515 : i32
      %add3A_517 = arith.constant 13 : i32
      %add3A_518 = arith.addi %mul3A_4, %add3A_517 : i32
      %dma_start3A_519 = arith.constant 104 : i32
      %dma_start3A_520 = tpu.memref_slice %arg6[%dma_start3A_519] : memref<128xf32, #tpu.memory_space<vmem>> -> memref<8xf32, #tpu.memory_space<vmem>>
      %dma_start3A_521 = tpu.memref_slice %arg2[%add3A_518, %mul3A_516] : memref<128x100000xf32, #tpu.memory_space<hbm>> -> memref<1x8xf32, #tpu.memory_space<hbm>>
      %dma_start3A_522 = tpu.memref_squeeze %dma_start3A_521 : memref<1x8xf32, #tpu.memory_space<hbm>> -> memref<8xf32, #tpu.memory_space<hbm>>
      %dma_start3A_523 = arith.constant 104 : i32
      %dma_start3A_524 = tpu.memref_slice %arg6[%dma_start3A_523] : memref<128xf32, #tpu.memory_space<vmem>> -> memref<8xf32, #tpu.memory_space<vmem>>
      %dma_start3A_525 = tpu.memref_slice %arg2[%add3A_518, %mul3A_516] : memref<128x100000xf32, #tpu.memory_space<hbm>> -> memref<1x8xf32, #tpu.memory_space<hbm>>
      %dma_start3A_526 = tpu.memref_squeeze %dma_start3A_525 : memref<1x8xf32, #tpu.memory_space<hbm>> -> memref<8xf32, #tpu.memory_space<hbm>>
      tpu.enqueue_dma source(%dma_start3A_526 : memref<8xf32, #tpu.memory_space<hbm>>) target(%dma_start3A_524 : memref<8xf32, #tpu.memory_space<vmem>>) target_semaphore(%arg8 : memref<!tpu.dma_semaphore, #tpu.memory_space<semaphore_mem>>)
      %slice3A_527 = vector.extract_strided_slice %get3A_5 {offsets = [14], sizes = [1], strides = [1]} : vector<16xi32> to vector<1xi32>
      %squeeze3A_528 = vector.extract %slice3A_527[0] : i32 from vector<1xi32>
      %jit3A_529 = arith.constant 8 : i32
      %div3A_530 = arith.divsi %squeeze3A_528, %jit3A_529 : i32
      %sign3A_531 = arith.constant 0 : i32
      %sign3A_532 = arith.cmpi sgt, %squeeze3A_528, %sign3A_531 : i32
      %sign3A_533 = arith.extui %sign3A_532 : i1 to i32
      %sign3A_534 = arith.constant 0 : i32
      %sign3A_535 = arith.cmpi slt, %squeeze3A_528, %sign3A_534 : i32
      %sign3A_536 = arith.extui %sign3A_535 : i1 to i32
      %sign3A_537 = arith.subi %sign3A_533, %sign3A_536 : i32
      %sign3A_538 = arith.constant 0 : i32
      %sign3A_539 = arith.cmpi sgt, %jit3A_529, %sign3A_538 : i32
      %sign3A_540 = arith.extui %sign3A_539 : i1 to i32
      %sign3A_541 = arith.constant 0 : i32
      %sign3A_542 = arith.cmpi slt, %jit3A_529, %sign3A_541 : i32
      %sign3A_543 = arith.extui %sign3A_542 : i1 to i32
      %sign3A_544 = arith.subi %sign3A_540, %sign3A_543 : i32
      %ne3A_545 = arith.cmpi ne, %sign3A_537, %sign3A_544 : i32
      %rem3A_546 = arith.remsi %squeeze3A_528, %jit3A_529 : i32
      %ne3A_547 = arith.constant 0 : i32
      %ne3A_548 = arith.cmpi ne, %rem3A_546, %ne3A_547 : i32
      %and3A_549 = arith.andi %ne3A_545, %ne3A_548 : i1
      %sub3A_550 = arith.constant 1 : i32
      %sub3A_551 = arith.subi %div3A_530, %sub3A_550 : i32
      %select_n3A_552 = arith.select %and3A_549, %sub3A_551, %div3A_530 : i32
      %mul3A_553 = arith.constant 8 : i32
      %mul3A_554 = arith.muli %select_n3A_552, %mul3A_553 : i32
      %add3A_555 = arith.constant 14 : i32
      %add3A_556 = arith.addi %mul3A_4, %add3A_555 : i32
      %dma_start3A_557 = arith.constant 112 : i32
      %dma_start3A_558 = tpu.memref_slice %arg6[%dma_start3A_557] : memref<128xf32, #tpu.memory_space<vmem>> -> memref<8xf32, #tpu.memory_space<vmem>>
      %dma_start3A_559 = tpu.memref_slice %arg2[%add3A_556, %mul3A_554] : memref<128x100000xf32, #tpu.memory_space<hbm>> -> memref<1x8xf32, #tpu.memory_space<hbm>>
      %dma_start3A_560 = tpu.memref_squeeze %dma_start3A_559 : memref<1x8xf32, #tpu.memory_space<hbm>> -> memref<8xf32, #tpu.memory_space<hbm>>
      %dma_start3A_561 = arith.constant 112 : i32
      %dma_start3A_562 = tpu.memref_slice %arg6[%dma_start3A_561] : memref<128xf32, #tpu.memory_space<vmem>> -> memref<8xf32, #tpu.memory_space<vmem>>
      %dma_start3A_563 = tpu.memref_slice %arg2[%add3A_556, %mul3A_554] : memref<128x100000xf32, #tpu.memory_space<hbm>> -> memref<1x8xf32, #tpu.memory_space<hbm>>
      %dma_start3A_564 = tpu.memref_squeeze %dma_start3A_563 : memref<1x8xf32, #tpu.memory_space<hbm>> -> memref<8xf32, #tpu.memory_space<hbm>>
      tpu.enqueue_dma source(%dma_start3A_564 : memref<8xf32, #tpu.memory_space<hbm>>) target(%dma_start3A_562 : memref<8xf32, #tpu.memory_space<vmem>>) target_semaphore(%arg8 : memref<!tpu.dma_semaphore, #tpu.memory_space<semaphore_mem>>)
      %slice3A_565 = vector.extract_strided_slice %get3A_5 {offsets = [15], sizes = [1], strides = [1]} : vector<16xi32> to vector<1xi32>
      %squeeze3A_566 = vector.extract %slice3A_565[0] : i32 from vector<1xi32>
      %jit3A_567 = arith.constant 8 : i32
      %div3A_568 = arith.divsi %squeeze3A_566, %jit3A_567 : i32
      %sign3A_569 = arith.constant 0 : i32
      %sign3A_570 = arith.cmpi sgt, %squeeze3A_566, %sign3A_569 : i32
      %sign3A_571 = arith.extui %sign3A_570 : i1 to i32
      %sign3A_572 = arith.constant 0 : i32
      %sign3A_573 = arith.cmpi slt, %squeeze3A_566, %sign3A_572 : i32
      %sign3A_574 = arith.extui %sign3A_573 : i1 to i32
      %sign3A_575 = arith.subi %sign3A_571, %sign3A_574 : i32
      %sign3A_576 = arith.constant 0 : i32
      %sign3A_577 = arith.cmpi sgt, %jit3A_567, %sign3A_576 : i32
      %sign3A_578 = arith.extui %sign3A_577 : i1 to i32
      %sign3A_579 = arith.constant 0 : i32
      %sign3A_580 = arith.cmpi slt, %jit3A_567, %sign3A_579 : i32
      %sign3A_581 = arith.extui %sign3A_580 : i1 to i32
      %sign3A_582 = arith.subi %sign3A_578, %sign3A_581 : i32
      %ne3A_583 = arith.cmpi ne, %sign3A_575, %sign3A_582 : i32
      %rem3A_584 = arith.remsi %squeeze3A_566, %jit3A_567 : i32
      %ne3A_585 = arith.constant 0 : i32
      %ne3A_586 = arith.cmpi ne, %rem3A_584, %ne3A_585 : i32
      %and3A_587 = arith.andi %ne3A_583, %ne3A_586 : i1
      %sub3A_588 = arith.constant 1 : i32
      %sub3A_589 = arith.subi %div3A_568, %sub3A_588 : i32
      %select_n3A_590 = arith.select %and3A_587, %sub3A_589, %div3A_568 : i32
      %mul3A_591 = arith.constant 8 : i32
      %mul3A_592 = arith.muli %select_n3A_590, %mul3A_591 : i32
      %add3A_593 = arith.constant 15 : i32
      %add3A_594 = arith.addi %mul3A_4, %add3A_593 : i32
      %dma_start3A_595 = arith.constant 120 : i32
      %dma_start3A_596 = tpu.memref_slice %arg6[%dma_start3A_595] : memref<128xf32, #tpu.memory_space<vmem>> -> memref<8xf32, #tpu.memory_space<vmem>>
      %dma_start3A_597 = tpu.memref_slice %arg2[%add3A_594, %mul3A_592] : memref<128x100000xf32, #tpu.memory_space<hbm>> -> memref<1x8xf32, #tpu.memory_space<hbm>>
      %dma_start3A_598 = tpu.memref_squeeze %dma_start3A_597 : memref<1x8xf32, #tpu.memory_space<hbm>> -> memref<8xf32, #tpu.memory_space<hbm>>
      %dma_start3A_599 = arith.constant 120 : i32
      %dma_start3A_600 = tpu.memref_slice %arg6[%dma_start3A_599] : memref<128xf32, #tpu.memory_space<vmem>> -> memref<8xf32, #tpu.memory_space<vmem>>
      %dma_start3A_601 = tpu.memref_slice %arg2[%add3A_594, %mul3A_592] : memref<128x100000xf32, #tpu.memory_space<hbm>> -> memref<1x8xf32, #tpu.memory_space<hbm>>
      %dma_start3A_602 = tpu.memref_squeeze %dma_start3A_601 : memref<1x8xf32, #tpu.memory_space<hbm>> -> memref<8xf32, #tpu.memory_space<hbm>>
      tpu.enqueue_dma source(%dma_start3A_602 : memref<8xf32, #tpu.memory_space<hbm>>) target(%dma_start3A_600 : memref<8xf32, #tpu.memory_space<vmem>>) target_semaphore(%arg8 : memref<!tpu.dma_semaphore, #tpu.memory_space<semaphore_mem>>)
      %dma_wait3A = arith.constant 0 : i32
      %dma_wait3A_603 = tpu.memref_slice %arg6[%dma_wait3A] : memref<128xf32, #tpu.memory_space<vmem>> -> memref<8xf32, #tpu.memory_space<vmem>>
      %dma_wait3A_604 = tpu.memref_slice %arg2[%add3A_25, %mul3A_23] : memref<128x100000xf32, #tpu.memory_space<hbm>> -> memref<1x8xf32, #tpu.memory_space<hbm>>
      %dma_wait3A_605 = tpu.memref_squeeze %dma_wait3A_604 : memref<1x8xf32, #tpu.memory_space<hbm>> -> memref<8xf32, #tpu.memory_space<hbm>>
      %dma_wait3A_606 = arith.constant 0 : i32
      %dma_wait3A_607 = tpu.memref_slice %arg6[%dma_wait3A_606] : memref<128xf32, #tpu.memory_space<vmem>> -> memref<8xf32, #tpu.memory_space<vmem>>
      %dma_wait3A_608 = tpu.memref_slice %arg2[%add3A_25, %mul3A_23] : memref<128x100000xf32, #tpu.memory_space<hbm>> -> memref<1x8xf32, #tpu.memory_space<hbm>>
      %dma_wait3A_609 = tpu.memref_squeeze %dma_wait3A_608 : memref<1x8xf32, #tpu.memory_space<hbm>> -> memref<8xf32, #tpu.memory_space<hbm>>
      tpu.wait_dma2 semaphore(%arg8 : memref<!tpu.dma_semaphore, #tpu.memory_space<semaphore_mem>>) src(%dma_wait3A_609 : memref<8xf32, #tpu.memory_space<hbm>>) dst(%dma_wait3A_607 : memref<8xf32, #tpu.memory_space<vmem>>)
      %dma_wait3A_610 = arith.constant 8 : i32
      %dma_wait3A_611 = tpu.memref_slice %arg6[%dma_wait3A_610] : memref<128xf32, #tpu.memory_space<vmem>> -> memref<8xf32, #tpu.memory_space<vmem>>
      %dma_wait3A_612 = tpu.memref_slice %arg2[%add3A_62, %mul3A_60] : memref<128x100000xf32, #tpu.memory_space<hbm>> -> memref<1x8xf32, #tpu.memory_space<hbm>>
      %dma_wait3A_613 = tpu.memref_squeeze %dma_wait3A_612 : memref<1x8xf32, #tpu.memory_space<hbm>> -> memref<8xf32, #tpu.memory_space<hbm>>
      %dma_wait3A_614 = arith.constant 8 : i32
      %dma_wait3A_615 = tpu.memref_slice %arg6[%dma_wait3A_614] : memref<128xf32, #tpu.memory_space<vmem>> -> memref<8xf32, #tpu.memory_space<vmem>>
      %dma_wait3A_616 = tpu.memref_slice %arg2[%add3A_62, %mul3A_60] : memref<128x100000xf32, #tpu.memory_space<hbm>> -> memref<1x8xf32, #tpu.memory_space<hbm>>
      %dma_wait3A_617 = tpu.memref_squeeze %dma_wait3A_616 : memref<1x8xf32, #tpu.memory_space<hbm>> -> memref<8xf32, #tpu.memory_space<hbm>>
      tpu.wait_dma2 semaphore(%arg8 : memref<!tpu.dma_semaphore, #tpu.memory_space<semaphore_mem>>) src(%dma_wait3A_617 : memref<8xf32, #tpu.memory_space<hbm>>) dst(%dma_wait3A_615 : memref<8xf32, #tpu.memory_space<vmem>>)
      %dma_wait3A_618 = arith.constant 16 : i32
      %dma_wait3A_619 = tpu.memref_slice %arg6[%dma_wait3A_618] : memref<128xf32, #tpu.memory_space<vmem>> -> memref<8xf32, #tpu.memory_space<vmem>>
      %dma_wait3A_620 = tpu.memref_slice %arg2[%add3A_100, %mul3A_98] : memref<128x100000xf32, #tpu.memory_space<hbm>> -> memref<1x8xf32, #tpu.memory_space<hbm>>
      %dma_wait3A_621 = tpu.memref_squeeze %dma_wait3A_620 : memref<1x8xf32, #tpu.memory_space<hbm>> -> memref<8xf32, #tpu.memory_space<hbm>>
      %dma_wait3A_622 = arith.constant 16 : i32
      %dma_wait3A_623 = tpu.memref_slice %arg6[%dma_wait3A_622] : memref<128xf32, #tpu.memory_space<vmem>> -> memref<8xf32, #tpu.memory_space<vmem>>
      %dma_wait3A_624 = tpu.memref_slice %arg2[%add3A_100, %mul3A_98] : memref<128x100000xf32, #tpu.memory_space<hbm>> -> memref<1x8xf32, #tpu.memory_space<hbm>>
      %dma_wait3A_625 = tpu.memref_squeeze %dma_wait3A_624 : memref<1x8xf32, #tpu.memory_space<hbm>> -> memref<8xf32, #tpu.memory_space<hbm>>
      tpu.wait_dma2 semaphore(%arg8 : memref<!tpu.dma_semaphore, #tpu.memory_space<semaphore_mem>>) src(%dma_wait3A_625 : memref<8xf32, #tpu.memory_space<hbm>>) dst(%dma_wait3A_623 : memref<8xf32, #tpu.memory_space<vmem>>)
      %dma_wait3A_626 = arith.constant 24 : i32
      %dma_wait3A_627 = tpu.memref_slice %arg6[%dma_wait3A_626] : memref<128xf32, #tpu.memory_space<vmem>> -> memref<8xf32, #tpu.memory_space<vmem>>
      %dma_wait3A_628 = tpu.memref_slice %arg2[%add3A_138, %mul3A_136] : memref<128x100000xf32, #tpu.memory_space<hbm>> -> memref<1x8xf32, #tpu.memory_space<hbm>>
      %dma_wait3A_629 = tpu.memref_squeeze %dma_wait3A_628 : memref<1x8xf32, #tpu.memory_space<hbm>> -> memref<8xf32, #tpu.memory_space<hbm>>
      %dma_wait3A_630 = arith.constant 24 : i32
      %dma_wait3A_631 = tpu.memref_slice %arg6[%dma_wait3A_630] : memref<128xf32, #tpu.memory_space<vmem>> -> memref<8xf32, #tpu.memory_space<vmem>>
      %dma_wait3A_632 = tpu.memref_slice %arg2[%add3A_138, %mul3A_136] : memref<128x100000xf32, #tpu.memory_space<hbm>> -> memref<1x8xf32, #tpu.memory_space<hbm>>
      %dma_wait3A_633 = tpu.memref_squeeze %dma_wait3A_632 : memref<1x8xf32, #tpu.memory_space<hbm>> -> memref<8xf32, #tpu.memory_space<hbm>>
      tpu.wait_dma2 semaphore(%arg8 : memref<!tpu.dma_semaphore, #tpu.memory_space<semaphore_mem>>) src(%dma_wait3A_633 : memref<8xf32, #tpu.memory_space<hbm>>) dst(%dma_wait3A_631 : memref<8xf32, #tpu.memory_space<vmem>>)
      %dma_wait3A_634 = arith.constant 32 : i32
      %dma_wait3A_635 = tpu.memref_slice %arg6[%dma_wait3A_634] : memref<128xf32, #tpu.memory_space<vmem>> -> memref<8xf32, #tpu.memory_space<vmem>>
      %dma_wait3A_636 = tpu.memref_slice %arg2[%add3A_176, %mul3A_174] : memref<128x100000xf32, #tpu.memory_space<hbm>> -> memref<1x8xf32, #tpu.memory_space<hbm>>
      %dma_wait3A_637 = tpu.memref_squeeze %dma_wait3A_636 : memref<1x8xf32, #tpu.memory_space<hbm>> -> memref<8xf32, #tpu.memory_space<hbm>>
      %dma_wait3A_638 = arith.constant 32 : i32
      %dma_wait3A_639 = tpu.memref_slice %arg6[%dma_wait3A_638] : memref<128xf32, #tpu.memory_space<vmem>> -> memref<8xf32, #tpu.memory_space<vmem>>
      %dma_wait3A_640 = tpu.memref_slice %arg2[%add3A_176, %mul3A_174] : memref<128x100000xf32, #tpu.memory_space<hbm>> -> memref<1x8xf32, #tpu.memory_space<hbm>>
      %dma_wait3A_641 = tpu.memref_squeeze %dma_wait3A_640 : memref<1x8xf32, #tpu.memory_space<hbm>> -> memref<8xf32, #tpu.memory_space<hbm>>
      tpu.wait_dma2 semaphore(%arg8 : memref<!tpu.dma_semaphore, #tpu.memory_space<semaphore_mem>>) src(%dma_wait3A_641 : memref<8xf32, #tpu.memory_space<hbm>>) dst(%dma_wait3A_639 : memref<8xf32, #tpu.memory_space<vmem>>)
      %dma_wait3A_642 = arith.constant 40 : i32
      %dma_wait3A_643 = tpu.memref_slice %arg6[%dma_wait3A_642] : memref<128xf32, #tpu.memory_space<vmem>> -> memref<8xf32, #tpu.memory_space<vmem>>
      %dma_wait3A_644 = tpu.memref_slice %arg2[%add3A_214, %mul3A_212] : memref<128x100000xf32, #tpu.memory_space<hbm>> -> memref<1x8xf32, #tpu.memory_space<hbm>>
      %dma_wait3A_645 = tpu.memref_squeeze %dma_wait3A_644 : memref<1x8xf32, #tpu.memory_space<hbm>> -> memref<8xf32, #tpu.memory_space<hbm>>
      %dma_wait3A_646 = arith.constant 40 : i32
      %dma_wait3A_647 = tpu.memref_slice %arg6[%dma_wait3A_646] : memref<128xf32, #tpu.memory_space<vmem>> -> memref<8xf32, #tpu.memory_space<vmem>>
      %dma_wait3A_648 = tpu.memref_slice %arg2[%add3A_214, %mul3A_212] : memref<128x100000xf32, #tpu.memory_space<hbm>> -> memref<1x8xf32, #tpu.memory_space<hbm>>
      %dma_wait3A_649 = tpu.memref_squeeze %dma_wait3A_648 : memref<1x8xf32, #tpu.memory_space<hbm>> -> memref<8xf32, #tpu.memory_space<hbm>>
      tpu.wait_dma2 semaphore(%arg8 : memref<!tpu.dma_semaphore, #tpu.memory_space<semaphore_mem>>) src(%dma_wait3A_649 : memref<8xf32, #tpu.memory_space<hbm>>) dst(%dma_wait3A_647 : memref<8xf32, #tpu.memory_space<vmem>>)
      %dma_wait3A_650 = arith.constant 48 : i32
      %dma_wait3A_651 = tpu.memref_slice %arg6[%dma_wait3A_650] : memref<128xf32, #tpu.memory_space<vmem>> -> memref<8xf32, #tpu.memory_space<vmem>>
      %dma_wait3A_652 = tpu.memref_slice %arg2[%add3A_252, %mul3A_250] : memref<128x100000xf32, #tpu.memory_space<hbm>> -> memref<1x8xf32, #tpu.memory_space<hbm>>
      %dma_wait3A_653 = tpu.memref_squeeze %dma_wait3A_652 : memref<1x8xf32, #tpu.memory_space<hbm>> -> memref<8xf32, #tpu.memory_space<hbm>>
      %dma_wait3A_654 = arith.constant 48 : i32
      %dma_wait3A_655 = tpu.memref_slice %arg6[%dma_wait3A_654] : memref<128xf32, #tpu.memory_space<vmem>> -> memref<8xf32, #tpu.memory_space<vmem>>
      %dma_wait3A_656 = tpu.memref_slice %arg2[%add3A_252, %mul3A_250] : memref<128x100000xf32, #tpu.memory_space<hbm>> -> memref<1x8xf32, #tpu.memory_space<hbm>>
      %dma_wait3A_657 = tpu.memref_squeeze %dma_wait3A_656 : memref<1x8xf32, #tpu.memory_space<hbm>> -> memref<8xf32, #tpu.memory_space<hbm>>
      tpu.wait_dma2 semaphore(%arg8 : memref<!tpu.dma_semaphore, #tpu.memory_space<semaphore_mem>>) src(%dma_wait3A_657 : memref<8xf32, #tpu.memory_space<hbm>>) dst(%dma_wait3A_655 : memref<8xf32, #tpu.memory_space<vmem>>)
      %dma_wait3A_658 = arith.constant 56 : i32
      %dma_wait3A_659 = tpu.memref_slice %arg6[%dma_wait3A_658] : memref<128xf32, #tpu.memory_space<vmem>> -> memref<8xf32, #tpu.memory_space<vmem>>
      %dma_wait3A_660 = tpu.memref_slice %arg2[%add3A_290, %mul3A_288] : memref<128x100000xf32, #tpu.memory_space<hbm>> -> memref<1x8xf32, #tpu.memory_space<hbm>>
      %dma_wait3A_661 = tpu.memref_squeeze %dma_wait3A_660 : memref<1x8xf32, #tpu.memory_space<hbm>> -> memref<8xf32, #tpu.memory_space<hbm>>
      %dma_wait3A_662 = arith.constant 56 : i32
      %dma_wait3A_663 = tpu.memref_slice %arg6[%dma_wait3A_662] : memref<128xf32, #tpu.memory_space<vmem>> -> memref<8xf32, #tpu.memory_space<vmem>>
      %dma_wait3A_664 = tpu.memref_slice %arg2[%add3A_290, %mul3A_288] : memref<128x100000xf32, #tpu.memory_space<hbm>> -> memref<1x8xf32, #tpu.memory_space<hbm>>
      %dma_wait3A_665 = tpu.memref_squeeze %dma_wait3A_664 : memref<1x8xf32, #tpu.memory_space<hbm>> -> memref<8xf32, #tpu.memory_space<hbm>>
      tpu.wait_dma2 semaphore(%arg8 : memref<!tpu.dma_semaphore, #tpu.memory_space<semaphore_mem>>) src(%dma_wait3A_665 : memref<8xf32, #tpu.memory_space<hbm>>) dst(%dma_wait3A_663 : memref<8xf32, #tpu.memory_space<vmem>>)
      %dma_wait3A_666 = arith.constant 64 : i32
      %dma_wait3A_667 = tpu.memref_slice %arg6[%dma_wait3A_666] : memref<128xf32, #tpu.memory_space<vmem>> -> memref<8xf32, #tpu.memory_space<vmem>>
      %dma_wait3A_668 = tpu.memref_slice %arg2[%add3A_328, %mul3A_326] : memref<128x100000xf32, #tpu.memory_space<hbm>> -> memref<1x8xf32, #tpu.memory_space<hbm>>
      %dma_wait3A_669 = tpu.memref_squeeze %dma_wait3A_668 : memref<1x8xf32, #tpu.memory_space<hbm>> -> memref<8xf32, #tpu.memory_space<hbm>>
      %dma_wait3A_670 = arith.constant 64 : i32
      %dma_wait3A_671 = tpu.memref_slice %arg6[%dma_wait3A_670] : memref<128xf32, #tpu.memory_space<vmem>> -> memref<8xf32, #tpu.memory_space<vmem>>
      %dma_wait3A_672 = tpu.memref_slice %arg2[%add3A_328, %mul3A_326] : memref<128x100000xf32, #tpu.memory_space<hbm>> -> memref<1x8xf32, #tpu.memory_space<hbm>>
      %dma_wait3A_673 = tpu.memref_squeeze %dma_wait3A_672 : memref<1x8xf32, #tpu.memory_space<hbm>> -> memref<8xf32, #tpu.memory_space<hbm>>
      tpu.wait_dma2 semaphore(%arg8 : memref<!tpu.dma_semaphore, #tpu.memory_space<semaphore_mem>>) src(%dma_wait3A_673 : memref<8xf32, #tpu.memory_space<hbm>>) dst(%dma_wait3A_671 : memref<8xf32, #tpu.memory_space<vmem>>)
      %dma_wait3A_674 = arith.constant 72 : i32
      %dma_wait3A_675 = tpu.memref_slice %arg6[%dma_wait3A_674] : memref<128xf32, #tpu.memory_space<vmem>> -> memref<8xf32, #tpu.memory_space<vmem>>
      %dma_wait3A_676 = tpu.memref_slice %arg2[%add3A_366, %mul3A_364] : memref<128x100000xf32, #tpu.memory_space<hbm>> -> memref<1x8xf32, #tpu.memory_space<hbm>>
      %dma_wait3A_677 = tpu.memref_squeeze %dma_wait3A_676 : memref<1x8xf32, #tpu.memory_space<hbm>> -> memref<8xf32, #tpu.memory_space<hbm>>
      %dma_wait3A_678 = arith.constant 72 : i32
      %dma_wait3A_679 = tpu.memref_slice %arg6[%dma_wait3A_678] : memref<128xf32, #tpu.memory_space<vmem>> -> memref<8xf32, #tpu.memory_space<vmem>>
      %dma_wait3A_680 = tpu.memref_slice %arg2[%add3A_366, %mul3A_364] : memref<128x100000xf32, #tpu.memory_space<hbm>> -> memref<1x8xf32, #tpu.memory_space<hbm>>
      %dma_wait3A_681 = tpu.memref_squeeze %dma_wait3A_680 : memref<1x8xf32, #tpu.memory_space<hbm>> -> memref<8xf32, #tpu.memory_space<hbm>>
      tpu.wait_dma2 semaphore(%arg8 : memref<!tpu.dma_semaphore, #tpu.memory_space<semaphore_mem>>) src(%dma_wait3A_681 : memref<8xf32, #tpu.memory_space<hbm>>) dst(%dma_wait3A_679 : memref<8xf32, #tpu.memory_space<vmem>>)
      %dma_wait3A_682 = arith.constant 80 : i32
      %dma_wait3A_683 = tpu.memref_slice %arg6[%dma_wait3A_682] : memref<128xf32, #tpu.memory_space<vmem>> -> memref<8xf32, #tpu.memory_space<vmem>>
      %dma_wait3A_684 = tpu.memref_slice %arg2[%add3A_404, %mul3A_402] : memref<128x100000xf32, #tpu.memory_space<hbm>> -> memref<1x8xf32, #tpu.memory_space<hbm>>
      %dma_wait3A_685 = tpu.memref_squeeze %dma_wait3A_684 : memref<1x8xf32, #tpu.memory_space<hbm>> -> memref<8xf32, #tpu.memory_space<hbm>>
      %dma_wait3A_686 = arith.constant 80 : i32
      %dma_wait3A_687 = tpu.memref_slice %arg6[%dma_wait3A_686] : memref<128xf32, #tpu.memory_space<vmem>> -> memref<8xf32, #tpu.memory_space<vmem>>
      %dma_wait3A_688 = tpu.memref_slice %arg2[%add3A_404, %mul3A_402] : memref<128x100000xf32, #tpu.memory_space<hbm>> -> memref<1x8xf32, #tpu.memory_space<hbm>>
      %dma_wait3A_689 = tpu.memref_squeeze %dma_wait3A_688 : memref<1x8xf32, #tpu.memory_space<hbm>> -> memref<8xf32, #tpu.memory_space<hbm>>
      tpu.wait_dma2 semaphore(%arg8 : memref<!tpu.dma_semaphore, #tpu.memory_space<semaphore_mem>>) src(%dma_wait3A_689 : memref<8xf32, #tpu.memory_space<hbm>>) dst(%dma_wait3A_687 : memref<8xf32, #tpu.memory_space<vmem>>)
      %dma_wait3A_690 = arith.constant 88 : i32
      %dma_wait3A_691 = tpu.memref_slice %arg6[%dma_wait3A_690] : memref<128xf32, #tpu.memory_space<vmem>> -> memref<8xf32, #tpu.memory_space<vmem>>
      %dma_wait3A_692 = tpu.memref_slice %arg2[%add3A_442, %mul3A_440] : memref<128x100000xf32, #tpu.memory_space<hbm>> -> memref<1x8xf32, #tpu.memory_space<hbm>>
      %dma_wait3A_693 = tpu.memref_squeeze %dma_wait3A_692 : memref<1x8xf32, #tpu.memory_space<hbm>> -> memref<8xf32, #tpu.memory_space<hbm>>
      %dma_wait3A_694 = arith.constant 88 : i32
      %dma_wait3A_695 = tpu.memref_slice %arg6[%dma_wait3A_694] : memref<128xf32, #tpu.memory_space<vmem>> -> memref<8xf32, #tpu.memory_space<vmem>>
      %dma_wait3A_696 = tpu.memref_slice %arg2[%add3A_442, %mul3A_440] : memref<128x100000xf32, #tpu.memory_space<hbm>> -> memref<1x8xf32, #tpu.memory_space<hbm>>
      %dma_wait3A_697 = tpu.memref_squeeze %dma_wait3A_696 : memref<1x8xf32, #tpu.memory_space<hbm>> -> memref<8xf32, #tpu.memory_space<hbm>>
      tpu.wait_dma2 semaphore(%arg8 : memref<!tpu.dma_semaphore, #tpu.memory_space<semaphore_mem>>) src(%dma_wait3A_697 : memref<8xf32, #tpu.memory_space<hbm>>) dst(%dma_wait3A_695 : memref<8xf32, #tpu.memory_space<vmem>>)
      %dma_wait3A_698 = arith.constant 96 : i32
      %dma_wait3A_699 = tpu.memref_slice %arg6[%dma_wait3A_698] : memref<128xf32, #tpu.memory_space<vmem>> -> memref<8xf32, #tpu.memory_space<vmem>>
      %dma_wait3A_700 = tpu.memref_slice %arg2[%add3A_480, %mul3A_478] : memref<128x100000xf32, #tpu.memory_space<hbm>> -> memref<1x8xf32, #tpu.memory_space<hbm>>
      %dma_wait3A_701 = tpu.memref_squeeze %dma_wait3A_700 : memref<1x8xf32, #tpu.memory_space<hbm>> -> memref<8xf32, #tpu.memory_space<hbm>>
      %dma_wait3A_702 = arith.constant 96 : i32
      %dma_wait3A_703 = tpu.memref_slice %arg6[%dma_wait3A_702] : memref<128xf32, #tpu.memory_space<vmem>> -> memref<8xf32, #tpu.memory_space<vmem>>
      %dma_wait3A_704 = tpu.memref_slice %arg2[%add3A_480, %mul3A_478] : memref<128x100000xf32, #tpu.memory_space<hbm>> -> memref<1x8xf32, #tpu.memory_space<hbm>>
      %dma_wait3A_705 = tpu.memref_squeeze %dma_wait3A_704 : memref<1x8xf32, #tpu.memory_space<hbm>> -> memref<8xf32, #tpu.memory_space<hbm>>
      tpu.wait_dma2 semaphore(%arg8 : memref<!tpu.dma_semaphore, #tpu.memory_space<semaphore_mem>>) src(%dma_wait3A_705 : memref<8xf32, #tpu.memory_space<hbm>>) dst(%dma_wait3A_703 : memref<8xf32, #tpu.memory_space<vmem>>)
      %dma_wait3A_706 = arith.constant 104 : i32
      %dma_wait3A_707 = tpu.memref_slice %arg6[%dma_wait3A_706] : memref<128xf32, #tpu.memory_space<vmem>> -> memref<8xf32, #tpu.memory_space<vmem>>
      %dma_wait3A_708 = tpu.memref_slice %arg2[%add3A_518, %mul3A_516] : memref<128x100000xf32, #tpu.memory_space<hbm>> -> memref<1x8xf32, #tpu.memory_space<hbm>>
      %dma_wait3A_709 = tpu.memref_squeeze %dma_wait3A_708 : memref<1x8xf32, #tpu.memory_space<hbm>> -> memref<8xf32, #tpu.memory_space<hbm>>
      %dma_wait3A_710 = arith.constant 104 : i32
      %dma_wait3A_711 = tpu.memref_slice %arg6[%dma_wait3A_710] : memref<128xf32, #tpu.memory_space<vmem>> -> memref<8xf32, #tpu.memory_space<vmem>>
      %dma_wait3A_712 = tpu.memref_slice %arg2[%add3A_518, %mul3A_516] : memref<128x100000xf32, #tpu.memory_space<hbm>> -> memref<1x8xf32, #tpu.memory_space<hbm>>
      %dma_wait3A_713 = tpu.memref_squeeze %dma_wait3A_712 : memref<1x8xf32, #tpu.memory_space<hbm>> -> memref<8xf32, #tpu.memory_space<hbm>>
      tpu.wait_dma2 semaphore(%arg8 : memref<!tpu.dma_semaphore, #tpu.memory_space<semaphore_mem>>) src(%dma_wait3A_713 : memref<8xf32, #tpu.memory_space<hbm>>) dst(%dma_wait3A_711 : memref<8xf32, #tpu.memory_space<vmem>>)
      %dma_wait3A_714 = arith.constant 112 : i32
      %dma_wait3A_715 = tpu.memref_slice %arg6[%dma_wait3A_714] : memref<128xf32, #tpu.memory_space<vmem>> -> memref<8xf32, #tpu.memory_space<vmem>>
      %dma_wait3A_716 = tpu.memref_slice %arg2[%add3A_556, %mul3A_554] : memref<128x100000xf32, #tpu.memory_space<hbm>> -> memref<1x8xf32, #tpu.memory_space<hbm>>
      %dma_wait3A_717 = tpu.memref_squeeze %dma_wait3A_716 : memref<1x8xf32, #tpu.memory_space<hbm>> -> memref<8xf32, #tpu.memory_space<hbm>>
      %dma_wait3A_718 = arith.constant 112 : i32
      %dma_wait3A_719 = tpu.memref_slice %arg6[%dma_wait3A_718] : memref<128xf32, #tpu.memory_space<vmem>> -> memref<8xf32, #tpu.memory_space<vmem>>
      %dma_wait3A_720 = tpu.memref_slice %arg2[%add3A_556, %mul3A_554] : memref<128x100000xf32, #tpu.memory_space<hbm>> -> memref<1x8xf32, #tpu.memory_space<hbm>>
      %dma_wait3A_721 = tpu.memref_squeeze %dma_wait3A_720 : memref<1x8xf32, #tpu.memory_space<hbm>> -> memref<8xf32, #tpu.memory_space<hbm>>
      tpu.wait_dma2 semaphore(%arg8 : memref<!tpu.dma_semaphore, #tpu.memory_space<semaphore_mem>>) src(%dma_wait3A_721 : memref<8xf32, #tpu.memory_space<hbm>>) dst(%dma_wait3A_719 : memref<8xf32, #tpu.memory_space<vmem>>)
      %dma_wait3A_722 = arith.constant 120 : i32
      %dma_wait3A_723 = tpu.memref_slice %arg6[%dma_wait3A_722] : memref<128xf32, #tpu.memory_space<vmem>> -> memref<8xf32, #tpu.memory_space<vmem>>
      %dma_wait3A_724 = tpu.memref_slice %arg2[%add3A_594, %mul3A_592] : memref<128x100000xf32, #tpu.memory_space<hbm>> -> memref<1x8xf32, #tpu.memory_space<hbm>>
      %dma_wait3A_725 = tpu.memref_squeeze %dma_wait3A_724 : memref<1x8xf32, #tpu.memory_space<hbm>> -> memref<8xf32, #tpu.memory_space<hbm>>
      %dma_wait3A_726 = arith.constant 120 : i32
      %dma_wait3A_727 = tpu.memref_slice %arg6[%dma_wait3A_726] : memref<128xf32, #tpu.memory_space<vmem>> -> memref<8xf32, #tpu.memory_space<vmem>>
      %dma_wait3A_728 = tpu.memref_slice %arg2[%add3A_594, %mul3A_592] : memref<128x100000xf32, #tpu.memory_space<hbm>> -> memref<1x8xf32, #tpu.memory_space<hbm>>
      %dma_wait3A_729 = tpu.memref_squeeze %dma_wait3A_728 : memref<1x8xf32, #tpu.memory_space<hbm>> -> memref<8xf32, #tpu.memory_space<hbm>>
      tpu.wait_dma2 semaphore(%arg8 : memref<!tpu.dma_semaphore, #tpu.memory_space<semaphore_mem>>) src(%dma_wait3A_729 : memref<8xf32, #tpu.memory_space<hbm>>) dst(%dma_wait3A_727 : memref<8xf32, #tpu.memory_space<vmem>>)
      %iota3A = tpu.iota {dimensions = array<i32: 0>} : vector<16xi32>
      %mul3A_730 = arith.constant 8 : i32
      %mul3A_731 = vector.broadcast %mul3A_730 : i32 to vector<16xi32>
      %mul3A_732 = arith.muli %iota3A, %mul3A_731 : vector<16xi32>
      %get3A_733 = arith.constant 0 : index
      %get3A_734 = tpu.vector_load %arg5[%get3A_733] {strides = array<i32>} : memref<16xi32, #tpu.memory_space<vmem>>, vector<16xi32>,
      %and3A_735 = arith.constant 7 : i32
      %and3A_736 = vector.broadcast %and3A_735 : i32 to vector<16xi32>
      %and3A_737 = arith.andi %get3A_734, %and3A_736 : vector<16xi32>
      %add3A_738 = arith.addi %mul3A_732, %and3A_737 : vector<16xi32>
      %gather3A = tpu.vector_load_idx %arg6[%add3A_738] : memref<128xf32, #tpu.memory_space<vmem>>[vector<16xi32>], vector<16xf32>,
      %swap3A = arith.constant 0 : index
      %swap3A_739 = tpu.vector_load %arg7[%swap3A] {strides = array<i32>} : memref<16xf32, #tpu.memory_space<vmem>>, vector<16xf32>,
      tpu.vector_store %arg7[%swap3A], %gather3A {strides = array<i32>} : memref<16xf32, #tpu.memory_space<vmem>>, vector<16xf32>,
      "tpu.region"() ({
        %run_scoped3A = tpu.sem_alloc : memref<!tpu.dma_semaphore, #tpu.memory_space<semaphore_mem>>
        %dma_start3A_740 = tpu.memref_slice %arg4[%mul3A_4] : memref<128xf32, #tpu.memory_space<hbm>> -> memref<16xf32, #tpu.memory_space<hbm>>
        %dma_start3A_741 = tpu.memref_slice %arg4[%mul3A_4] : memref<128xf32, #tpu.memory_space<hbm>> -> memref<16xf32, #tpu.memory_space<hbm>>
        tpu.enqueue_dma source(%arg7 : memref<16xf32, #tpu.memory_space<vmem>>) target(%dma_start3A_741 : memref<16xf32, #tpu.memory_space<hbm>>) target_semaphore(%run_scoped3A : memref<!tpu.dma_semaphore, #tpu.memory_space<semaphore_mem>>)
        %dma_wait3A_742 = tpu.memref_slice %arg4[%mul3A_4] : memref<128xf32, #tpu.memory_space<hbm>> -> memref<16xf32, #tpu.memory_space<hbm>>
        %dma_wait3A_743 = tpu.memref_slice %arg4[%mul3A_4] : memref<128xf32, #tpu.memory_space<hbm>> -> memref<16xf32, #tpu.memory_space<hbm>>
        tpu.wait_dma2 semaphore(%run_scoped3A : memref<!tpu.dma_semaphore, #tpu.memory_space<semaphore_mem>>) src(%arg7 : memref<16xf32, #tpu.memory_space<vmem>>) dst(%dma_wait3A_743 : memref<16xf32, #tpu.memory_space<hbm>>)
        tpu.yield
      }) : () -> ()
    } else {
    }
    return
  }
}

module attributes {stable_mosaic.version = 14 : i64} {
  func.func @_count_body(%arg0: i32, %arg1: memref<32x1xi32, #tpu.memory_space<vmem>>, %arg2: memref<32x1xf32, #tpu.memory_space<vmem>>, %arg3: memref<8x100000xf32, #tpu.memory_space<vmem>>, %arg4: memref<8x100000xf32, #tpu.memory_space<vmem>>, %arg5: memref<8x100000xf32, #tpu.memory_space<vmem>>, %arg6: memref<8x100000xf32, #tpu.memory_space<vmem>>, %arg7: memref<1x1xf32, #tpu.memory_space<vmem>>) attributes {dimension_semantics = [#tpu.dimension_semantics<arbitrary>], iteration_bounds = array<i64: 4>, scalar_prefetch = 0 : i64, scratch_operands = 0 : i64, tpu.core_type = #tpu.core_type<tc>, window_params = [{transform_indices = @transform_0, window_bounds = array<i64: 32, 1>}, {transform_indices = @transform_1, window_bounds = array<i64: 32, 1>}, {transform_indices = @transform_2, window_bounds = array<i64: 8, 100000>}, {transform_indices = @transform_3, window_bounds = array<i64: 8, 100000>}, {transform_indices = @transform_4, window_bounds = array<i64: 8, 100000>}, {transform_indices = @transform_5, window_bounds = array<i64: 8, 100000>}, {pipeline_mode = #tpu.pipeline_mode<synchronous>, transform_indices = @transform_6, window_bounds = array<i64: 1, 1>}]} {
    %get3A = arith.constant 0 : index
    %get3A_0 = arith.constant 0 : index
    %get3A_1 = vector.load %arg2[%get3A, %get3A_0] : memref<32x1xf32, #tpu.memory_space<vmem>>, vector<32x1xf32>
    %get3A_2 = arith.constant 0 : index
    %get3A_3 = arith.constant 0 : index
    %get3A_4 = vector.load %arg1[%get3A_2, %get3A_3] : memref<32x1xi32, #tpu.memory_space<vmem>>, vector<32x1xi32>
    %iota3A = tpu.iota {dimensions = array<i32: 1>} : vector<8x100000xi32>
    %get3A_5 = arith.constant 0 : index
    %get3A_6 = arith.constant 0 : index
    %get3A_7 = vector.load %arg3[%get3A_5, %get3A_6] : memref<8x100000xf32, #tpu.memory_space<vmem>>, vector<8x100000xf32>
    %slice3A = vector.extract_strided_slice %get3A_1 {offsets = [0, 0], sizes = [8, 1], strides = [1, 1]} : vector<32x1xf32> to vector<8x1xf32>
    %slice3A_8 = vector.extract_strided_slice %get3A_4 {offsets = [0, 0], sizes = [8, 1], strides = [1, 1]} : vector<32x1xi32> to vector<8x1xi32>
    %gt3A = vector.broadcast %slice3A : vector<8x1xf32> to vector<8x100000xf32>
    %gt3A_9 = arith.cmpf ogt, %get3A_7, %gt3A : vector<8x100000xf32>
    %eq3A = vector.broadcast %slice3A : vector<8x1xf32> to vector<8x100000xf32>
    %eq3A_10 = arith.cmpf oeq, %get3A_7, %eq3A : vector<8x100000xf32>
    %lt3A = vector.broadcast %slice3A_8 : vector<8x1xi32> to vector<8x100000xi32>
    %lt3A_11 = arith.cmpi slt, %iota3A, %lt3A : vector<8x100000xi32>
    %and3A = arith.andi %eq3A_10, %lt3A_11 : vector<8x100000xi1>
    %or3A = arith.ori %gt3A_9, %and3A : vector<8x100000xi1>
    %convert_element_type3A = arith.extui %or3A : vector<8x100000xi1> to vector<8x100000xi32>
    %convert_element_type3A_12 = arith.sitofp %convert_element_type3A : vector<8x100000xi32> to vector<8x100000xf32>
    %reduce_sum3A = arith.constant dense<0.000000e+00> : vector<8xf32>
    %reduce_sum3A_13 = vector.multi_reduction <add>, %convert_element_type3A_12, %reduce_sum3A [1] : vector<8x100000xf32> to vector<8xf32>
    %broadcast_in_dim3A = vector.shape_cast %reduce_sum3A_13 : vector<8xf32> to vector<8x1xf32>
    %eq3A_14 = arith.constant 0.000000e+00 : f32
    %eq3A_15 = vector.broadcast %eq3A_14 : f32 to vector<8x1xf32>
    %eq3A_16 = arith.cmpf oeq, %broadcast_in_dim3A, %eq3A_15 : vector<8x1xf32>
    %convert_element_type3A_17 = arith.extui %eq3A_16 : vector<8x1xi1> to vector<8x1xi32>
    %convert_element_type3A_18 = arith.sitofp %convert_element_type3A_17 : vector<8x1xi32> to vector<8x1xf32>
    %eq3A_19 = arith.constant 1.000000e+00 : f32
    %eq3A_20 = vector.broadcast %eq3A_19 : f32 to vector<8x1xf32>
    %eq3A_21 = arith.cmpf oeq, %broadcast_in_dim3A, %eq3A_20 : vector<8x1xf32>
    %convert_element_type3A_22 = arith.extui %eq3A_21 : vector<8x1xi1> to vector<8x1xi32>
    %convert_element_type3A_23 = arith.sitofp %convert_element_type3A_22 : vector<8x1xi32> to vector<8x1xf32>
    %mul3A = arith.constant 5.000000e-01 : f32
    %mul3A_24 = vector.broadcast %mul3A : f32 to vector<8x1xf32>
    %mul3A_25 = arith.mulf %convert_element_type3A_23, %mul3A_24 : vector<8x1xf32>
    %add3A = arith.addf %convert_element_type3A_18, %mul3A_25 : vector<8x1xf32>
    %eq3A_26 = arith.constant 2.000000e+00 : f32
    %eq3A_27 = vector.broadcast %eq3A_26 : f32 to vector<8x1xf32>
    %eq3A_28 = arith.cmpf oeq, %broadcast_in_dim3A, %eq3A_27 : vector<8x1xf32>
    %convert_element_type3A_29 = arith.extui %eq3A_28 : vector<8x1xi1> to vector<8x1xi32>
    %convert_element_type3A_30 = arith.sitofp %convert_element_type3A_29 : vector<8x1xi32> to vector<8x1xf32>
    %mul3A_31 = arith.constant 0.333333343 : f32
    %mul3A_32 = vector.broadcast %mul3A_31 : f32 to vector<8x1xf32>
    %mul3A_33 = arith.mulf %convert_element_type3A_30, %mul3A_32 : vector<8x1xf32>
    %add3A_34 = arith.addf %add3A, %mul3A_33 : vector<8x1xf32>
    %reduce_sum3A_35 = vector.shape_cast %add3A_34 : vector<8x1xf32> to vector<1x8x1xf32>
    %reduce_sum3A_36 = arith.constant dense<0.000000e+00> : vector<1xf32>
    %reduce_sum3A_37 = vector.multi_reduction <add>, %reduce_sum3A_35, %reduce_sum3A_36 [1, 2] : vector<1x8x1xf32> to vector<1xf32>
    %reduce_sum3A_38 = vector.shape_cast %reduce_sum3A_37 : vector<1xf32> to vector<1x1x1xf32>
    %reduce_sum3A_39 = vector.extract %reduce_sum3A_38[0, 0, 0] : f32 from vector<1x1x1xf32>
    %broadcast_in_dim3A_40 = vector.broadcast %reduce_sum3A_39 : f32 to vector<1x1xf32>
    %get3A_41 = arith.constant 0 : index
    %get3A_42 = arith.constant 0 : index
    %get3A_43 = vector.load %arg4[%get3A_41, %get3A_42] : memref<8x100000xf32, #tpu.memory_space<vmem>>, vector<8x100000xf32>
    %slice3A_44 = vector.extract_strided_slice %get3A_1 {offsets = [8, 0], sizes = [8, 1], strides = [1, 1]} : vector<32x1xf32> to vector<8x1xf32>
    %slice3A_45 = vector.extract_strided_slice %get3A_4 {offsets = [8, 0], sizes = [8, 1], strides = [1, 1]} : vector<32x1xi32> to vector<8x1xi32>
    %gt3A_46 = vector.broadcast %slice3A_44 : vector<8x1xf32> to vector<8x100000xf32>
    %gt3A_47 = arith.cmpf ogt, %get3A_43, %gt3A_46 : vector<8x100000xf32>
    %eq3A_48 = vector.broadcast %slice3A_44 : vector<8x1xf32> to vector<8x100000xf32>
    %eq3A_49 = arith.cmpf oeq, %get3A_43, %eq3A_48 : vector<8x100000xf32>
    %lt3A_50 = vector.broadcast %slice3A_45 : vector<8x1xi32> to vector<8x100000xi32>
    %lt3A_51 = arith.cmpi slt, %iota3A, %lt3A_50 : vector<8x100000xi32>
    %and3A_52 = arith.andi %eq3A_49, %lt3A_51 : vector<8x100000xi1>
    %or3A_53 = arith.ori %gt3A_47, %and3A_52 : vector<8x100000xi1>
    %convert_element_type3A_54 = arith.extui %or3A_53 : vector<8x100000xi1> to vector<8x100000xi32>
    %convert_element_type3A_55 = arith.sitofp %convert_element_type3A_54 : vector<8x100000xi32> to vector<8x100000xf32>
    %reduce_sum3A_56 = arith.constant dense<0.000000e+00> : vector<8xf32>
    %reduce_sum3A_57 = vector.multi_reduction <add>, %convert_element_type3A_55, %reduce_sum3A_56 [1] : vector<8x100000xf32> to vector<8xf32>
    %broadcast_in_dim3A_58 = vector.shape_cast %reduce_sum3A_57 : vector<8xf32> to vector<8x1xf32>
    %eq3A_59 = arith.constant 0.000000e+00 : f32
    %eq3A_60 = vector.broadcast %eq3A_59 : f32 to vector<8x1xf32>
    %eq3A_61 = arith.cmpf oeq, %broadcast_in_dim3A_58, %eq3A_60 : vector<8x1xf32>
    %convert_element_type3A_62 = arith.extui %eq3A_61 : vector<8x1xi1> to vector<8x1xi32>
    %convert_element_type3A_63 = arith.sitofp %convert_element_type3A_62 : vector<8x1xi32> to vector<8x1xf32>
    %eq3A_64 = arith.constant 1.000000e+00 : f32
    %eq3A_65 = vector.broadcast %eq3A_64 : f32 to vector<8x1xf32>
    %eq3A_66 = arith.cmpf oeq, %broadcast_in_dim3A_58, %eq3A_65 : vector<8x1xf32>
    %convert_element_type3A_67 = arith.extui %eq3A_66 : vector<8x1xi1> to vector<8x1xi32>
    %convert_element_type3A_68 = arith.sitofp %convert_element_type3A_67 : vector<8x1xi32> to vector<8x1xf32>
    %mul3A_69 = arith.constant 5.000000e-01 : f32
    %mul3A_70 = vector.broadcast %mul3A_69 : f32 to vector<8x1xf32>
    %mul3A_71 = arith.mulf %convert_element_type3A_68, %mul3A_70 : vector<8x1xf32>
    %add3A_72 = arith.addf %convert_element_type3A_63, %mul3A_71 : vector<8x1xf32>
    %eq3A_73 = arith.constant 2.000000e+00 : f32
    %eq3A_74 = vector.broadcast %eq3A_73 : f32 to vector<8x1xf32>
    %eq3A_75 = arith.cmpf oeq, %broadcast_in_dim3A_58, %eq3A_74 : vector<8x1xf32>
    %convert_element_type3A_76 = arith.extui %eq3A_75 : vector<8x1xi1> to vector<8x1xi32>
    %convert_element_type3A_77 = arith.sitofp %convert_element_type3A_76 : vector<8x1xi32> to vector<8x1xf32>
    %mul3A_78 = arith.constant 0.333333343 : f32
    %mul3A_79 = vector.broadcast %mul3A_78 : f32 to vector<8x1xf32>
    %mul3A_80 = arith.mulf %convert_element_type3A_77, %mul3A_79 : vector<8x1xf32>
    %add3A_81 = arith.addf %add3A_72, %mul3A_80 : vector<8x1xf32>
    %reduce_sum3A_82 = vector.shape_cast %add3A_81 : vector<8x1xf32> to vector<1x8x1xf32>
    %reduce_sum3A_83 = arith.constant dense<0.000000e+00> : vector<1xf32>
    %reduce_sum3A_84 = vector.multi_reduction <add>, %reduce_sum3A_82, %reduce_sum3A_83 [1, 2] : vector<1x8x1xf32> to vector<1xf32>
    %reduce_sum3A_85 = vector.shape_cast %reduce_sum3A_84 : vector<1xf32> to vector<1x1x1xf32>
    %reduce_sum3A_86 = vector.extract %reduce_sum3A_85[0, 0, 0] : f32 from vector<1x1x1xf32>
    %broadcast_in_dim3A_87 = vector.broadcast %reduce_sum3A_86 : f32 to vector<1x1xf32>
    %add3A_88 = arith.addf %broadcast_in_dim3A_40, %broadcast_in_dim3A_87 : vector<1x1xf32>
    %get3A_89 = arith.constant 0 : index
    %get3A_90 = arith.constant 0 : index
    %get3A_91 = vector.load %arg5[%get3A_89, %get3A_90] : memref<8x100000xf32, #tpu.memory_space<vmem>>, vector<8x100000xf32>
    %slice3A_92 = vector.extract_strided_slice %get3A_1 {offsets = [16, 0], sizes = [8, 1], strides = [1, 1]} : vector<32x1xf32> to vector<8x1xf32>
    %slice3A_93 = vector.extract_strided_slice %get3A_4 {offsets = [16, 0], sizes = [8, 1], strides = [1, 1]} : vector<32x1xi32> to vector<8x1xi32>
    %gt3A_94 = vector.broadcast %slice3A_92 : vector<8x1xf32> to vector<8x100000xf32>
    %gt3A_95 = arith.cmpf ogt, %get3A_91, %gt3A_94 : vector<8x100000xf32>
    %eq3A_96 = vector.broadcast %slice3A_92 : vector<8x1xf32> to vector<8x100000xf32>
    %eq3A_97 = arith.cmpf oeq, %get3A_91, %eq3A_96 : vector<8x100000xf32>
    %lt3A_98 = vector.broadcast %slice3A_93 : vector<8x1xi32> to vector<8x100000xi32>
    %lt3A_99 = arith.cmpi slt, %iota3A, %lt3A_98 : vector<8x100000xi32>
    %and3A_100 = arith.andi %eq3A_97, %lt3A_99 : vector<8x100000xi1>
    %or3A_101 = arith.ori %gt3A_95, %and3A_100 : vector<8x100000xi1>
    %convert_element_type3A_102 = arith.extui %or3A_101 : vector<8x100000xi1> to vector<8x100000xi32>
    %convert_element_type3A_103 = arith.sitofp %convert_element_type3A_102 : vector<8x100000xi32> to vector<8x100000xf32>
    %reduce_sum3A_104 = arith.constant dense<0.000000e+00> : vector<8xf32>
    %reduce_sum3A_105 = vector.multi_reduction <add>, %convert_element_type3A_103, %reduce_sum3A_104 [1] : vector<8x100000xf32> to vector<8xf32>
    %broadcast_in_dim3A_106 = vector.shape_cast %reduce_sum3A_105 : vector<8xf32> to vector<8x1xf32>
    %eq3A_107 = arith.constant 0.000000e+00 : f32
    %eq3A_108 = vector.broadcast %eq3A_107 : f32 to vector<8x1xf32>
    %eq3A_109 = arith.cmpf oeq, %broadcast_in_dim3A_106, %eq3A_108 : vector<8x1xf32>
    %convert_element_type3A_110 = arith.extui %eq3A_109 : vector<8x1xi1> to vector<8x1xi32>
    %convert_element_type3A_111 = arith.sitofp %convert_element_type3A_110 : vector<8x1xi32> to vector<8x1xf32>
    %eq3A_112 = arith.constant 1.000000e+00 : f32
    %eq3A_113 = vector.broadcast %eq3A_112 : f32 to vector<8x1xf32>
    %eq3A_114 = arith.cmpf oeq, %broadcast_in_dim3A_106, %eq3A_113 : vector<8x1xf32>
    %convert_element_type3A_115 = arith.extui %eq3A_114 : vector<8x1xi1> to vector<8x1xi32>
    %convert_element_type3A_116 = arith.sitofp %convert_element_type3A_115 : vector<8x1xi32> to vector<8x1xf32>
    %mul3A_117 = arith.constant 5.000000e-01 : f32
    %mul3A_118 = vector.broadcast %mul3A_117 : f32 to vector<8x1xf32>
    %mul3A_119 = arith.mulf %convert_element_type3A_116, %mul3A_118 : vector<8x1xf32>
    %add3A_120 = arith.addf %convert_element_type3A_111, %mul3A_119 : vector<8x1xf32>
    %eq3A_121 = arith.constant 2.000000e+00 : f32
    %eq3A_122 = vector.broadcast %eq3A_121 : f32 to vector<8x1xf32>
    %eq3A_123 = arith.cmpf oeq, %broadcast_in_dim3A_106, %eq3A_122 : vector<8x1xf32>
    %convert_element_type3A_124 = arith.extui %eq3A_123 : vector<8x1xi1> to vector<8x1xi32>
    %convert_element_type3A_125 = arith.sitofp %convert_element_type3A_124 : vector<8x1xi32> to vector<8x1xf32>
    %mul3A_126 = arith.constant 0.333333343 : f32
    %mul3A_127 = vector.broadcast %mul3A_126 : f32 to vector<8x1xf32>
    %mul3A_128 = arith.mulf %convert_element_type3A_125, %mul3A_127 : vector<8x1xf32>
    %add3A_129 = arith.addf %add3A_120, %mul3A_128 : vector<8x1xf32>
    %reduce_sum3A_130 = vector.shape_cast %add3A_129 : vector<8x1xf32> to vector<1x8x1xf32>
    %reduce_sum3A_131 = arith.constant dense<0.000000e+00> : vector<1xf32>
    %reduce_sum3A_132 = vector.multi_reduction <add>, %reduce_sum3A_130, %reduce_sum3A_131 [1, 2] : vector<1x8x1xf32> to vector<1xf32>
    %reduce_sum3A_133 = vector.shape_cast %reduce_sum3A_132 : vector<1xf32> to vector<1x1x1xf32>
    %reduce_sum3A_134 = vector.extract %reduce_sum3A_133[0, 0, 0] : f32 from vector<1x1x1xf32>
    %broadcast_in_dim3A_135 = vector.broadcast %reduce_sum3A_134 : f32 to vector<1x1xf32>
    %add3A_136 = arith.addf %add3A_88, %broadcast_in_dim3A_135 : vector<1x1xf32>
    %get3A_137 = arith.constant 0 : index
    %get3A_138 = arith.constant 0 : index
    %get3A_139 = vector.load %arg6[%get3A_137, %get3A_138] : memref<8x100000xf32, #tpu.memory_space<vmem>>, vector<8x100000xf32>
    %slice3A_140 = vector.extract_strided_slice %get3A_1 {offsets = [24, 0], sizes = [8, 1], strides = [1, 1]} : vector<32x1xf32> to vector<8x1xf32>
    %slice3A_141 = vector.extract_strided_slice %get3A_4 {offsets = [24, 0], sizes = [8, 1], strides = [1, 1]} : vector<32x1xi32> to vector<8x1xi32>
    %gt3A_142 = vector.broadcast %slice3A_140 : vector<8x1xf32> to vector<8x100000xf32>
    %gt3A_143 = arith.cmpf ogt, %get3A_139, %gt3A_142 : vector<8x100000xf32>
    %eq3A_144 = vector.broadcast %slice3A_140 : vector<8x1xf32> to vector<8x100000xf32>
    %eq3A_145 = arith.cmpf oeq, %get3A_139, %eq3A_144 : vector<8x100000xf32>
    %lt3A_146 = vector.broadcast %slice3A_141 : vector<8x1xi32> to vector<8x100000xi32>
    %lt3A_147 = arith.cmpi slt, %iota3A, %lt3A_146 : vector<8x100000xi32>
    %and3A_148 = arith.andi %eq3A_145, %lt3A_147 : vector<8x100000xi1>
    %or3A_149 = arith.ori %gt3A_143, %and3A_148 : vector<8x100000xi1>
    %convert_element_type3A_150 = arith.extui %or3A_149 : vector<8x100000xi1> to vector<8x100000xi32>
    %convert_element_type3A_151 = arith.sitofp %convert_element_type3A_150 : vector<8x100000xi32> to vector<8x100000xf32>
    %reduce_sum3A_152 = arith.constant dense<0.000000e+00> : vector<8xf32>
    %reduce_sum3A_153 = vector.multi_reduction <add>, %convert_element_type3A_151, %reduce_sum3A_152 [1] : vector<8x100000xf32> to vector<8xf32>
    %broadcast_in_dim3A_154 = vector.shape_cast %reduce_sum3A_153 : vector<8xf32> to vector<8x1xf32>
    %eq3A_155 = arith.constant 0.000000e+00 : f32
    %eq3A_156 = vector.broadcast %eq3A_155 : f32 to vector<8x1xf32>
    %eq3A_157 = arith.cmpf oeq, %broadcast_in_dim3A_154, %eq3A_156 : vector<8x1xf32>
    %convert_element_type3A_158 = arith.extui %eq3A_157 : vector<8x1xi1> to vector<8x1xi32>
    %convert_element_type3A_159 = arith.sitofp %convert_element_type3A_158 : vector<8x1xi32> to vector<8x1xf32>
    %eq3A_160 = arith.constant 1.000000e+00 : f32
    %eq3A_161 = vector.broadcast %eq3A_160 : f32 to vector<8x1xf32>
    %eq3A_162 = arith.cmpf oeq, %broadcast_in_dim3A_154, %eq3A_161 : vector<8x1xf32>
    %convert_element_type3A_163 = arith.extui %eq3A_162 : vector<8x1xi1> to vector<8x1xi32>
    %convert_element_type3A_164 = arith.sitofp %convert_element_type3A_163 : vector<8x1xi32> to vector<8x1xf32>
    %mul3A_165 = arith.constant 5.000000e-01 : f32
    %mul3A_166 = vector.broadcast %mul3A_165 : f32 to vector<8x1xf32>
    %mul3A_167 = arith.mulf %convert_element_type3A_164, %mul3A_166 : vector<8x1xf32>
    %add3A_168 = arith.addf %convert_element_type3A_159, %mul3A_167 : vector<8x1xf32>
    %eq3A_169 = arith.constant 2.000000e+00 : f32
    %eq3A_170 = vector.broadcast %eq3A_169 : f32 to vector<8x1xf32>
    %eq3A_171 = arith.cmpf oeq, %broadcast_in_dim3A_154, %eq3A_170 : vector<8x1xf32>
    %convert_element_type3A_172 = arith.extui %eq3A_171 : vector<8x1xi1> to vector<8x1xi32>
    %convert_element_type3A_173 = arith.sitofp %convert_element_type3A_172 : vector<8x1xi32> to vector<8x1xf32>
    %mul3A_174 = arith.constant 0.333333343 : f32
    %mul3A_175 = vector.broadcast %mul3A_174 : f32 to vector<8x1xf32>
    %mul3A_176 = arith.mulf %convert_element_type3A_173, %mul3A_175 : vector<8x1xf32>
    %add3A_177 = arith.addf %add3A_168, %mul3A_176 : vector<8x1xf32>
    %reduce_sum3A_178 = vector.shape_cast %add3A_177 : vector<8x1xf32> to vector<1x8x1xf32>
    %reduce_sum3A_179 = arith.constant dense<0.000000e+00> : vector<1xf32>
    %reduce_sum3A_180 = vector.multi_reduction <add>, %reduce_sum3A_178, %reduce_sum3A_179 [1, 2] : vector<1x8x1xf32> to vector<1xf32>
    %reduce_sum3A_181 = vector.shape_cast %reduce_sum3A_180 : vector<1xf32> to vector<1x1x1xf32>
    %reduce_sum3A_182 = vector.extract %reduce_sum3A_181[0, 0, 0] : f32 from vector<1x1x1xf32>
    %broadcast_in_dim3A_183 = vector.broadcast %reduce_sum3A_182 : f32 to vector<1x1xf32>
    %add3A_184 = arith.addf %add3A_136, %broadcast_in_dim3A_183 : vector<1x1xf32>
    %mul3A_185 = arith.constant 7.812500e-03 : f32
    %mul3A_186 = vector.broadcast %mul3A_185 : f32 to vector<1x1xf32>
    %mul3A_187 = arith.mulf %add3A_184, %mul3A_186 : vector<1x1xf32>
    %eq3A_188 = arith.constant 0 : i32
    %eq3A_189 = arith.cmpi eq, %arg0, %eq3A_188 : i32
    %convert_element_type3A_190 = arith.extui %eq3A_189 : i1 to i32
    %cond3A = arith.constant 0 : i32
    %cond3A_191 = arith.cmpi ne, %convert_element_type3A_190, %cond3A : i32
    scf.if %cond3A_191 {
      %swap3A = arith.constant 0 : index
      %swap3A_196 = arith.constant 0 : index
      %swap3A_197 = vector.load %arg7[%swap3A, %swap3A_196] : memref<1x1xf32, #tpu.memory_space<vmem>>, vector<1x1xf32>
      tpu.vector_store %arg7[%swap3A, %swap3A_196], %mul3A_187 {strides = array<i32>} : memref<1x1xf32, #tpu.memory_space<vmem>>, vector<1x1xf32>,
    } else {
    }
    %ne3A = arith.constant 0 : i32
    %ne3A_192 = arith.cmpi ne, %arg0, %ne3A : i32
    %convert_element_type3A_193 = arith.extui %ne3A_192 : i1 to i32
    %cond3A_194 = arith.constant 0 : i32
    %cond3A_195 = arith.cmpi ne, %convert_element_type3A_193, %cond3A_194 : i32
    scf.if %cond3A_195 {
      %get3A_196 = arith.constant 0 : index
      %get3A_197 = arith.constant 0 : index
      %get3A_198 = vector.load %arg7[%get3A_196, %get3A_197] : memref<1x1xf32, #tpu.memory_space<vmem>>, vector<1x1xf32>
      %add3A_199 = arith.addf %get3A_198, %mul3A_187 : vector<1x1xf32>
      %swap3A = arith.constant 0 : index
      %swap3A_200 = arith.constant 0 : index
      %swap3A_201 = vector.load %arg7[%swap3A, %swap3A_200] : memref<1x1xf32, #tpu.memory_space<vmem>>, vector<1x1xf32>
      tpu.vector_store %arg7[%swap3A, %swap3A_200], %add3A_199 {strides = array<i32>} : memref<1x1xf32, #tpu.memory_space<vmem>>, vector<1x1xf32>,
    } else {
    }
    return
  }
  func.func @transform_0(%arg0: i32) -> (i32, i32) {
    %c0_i32 = arith.constant 0 : i32
    %c0_i32_0 = arith.constant 0 : i32
    return %arg0, %c0_i32 : i32, i32
  }
  func.func @transform_1(%arg0: i32) -> (i32, i32) {
    %c0_i32 = arith.constant 0 : i32
    %c0_i32_0 = arith.constant 0 : i32
    return %arg0, %c0_i32 : i32, i32
  }
  func.func @transform_2(%arg0: i32) -> (i32, i32) {
    %mul3A = arith.constant 4 : i32
    %mul3A_0 = arith.muli %mul3A, %arg0 : i32
    %add3A = arith.constant 0 : i32
    %add3A_1 = arith.addi %mul3A_0, %add3A : i32
    %c0_i32 = arith.constant 0 : i32
    %c0_i32_2 = arith.constant 0 : i32
    return %add3A_1, %c0_i32 : i32, i32
  }
  func.func @transform_3(%arg0: i32) -> (i32, i32) {
    %mul3A = arith.constant 4 : i32
    %mul3A_0 = arith.muli %mul3A, %arg0 : i32
    %add3A = arith.constant 1 : i32
    %add3A_1 = arith.addi %mul3A_0, %add3A : i32
    %c0_i32 = arith.constant 0 : i32
    %c0_i32_2 = arith.constant 0 : i32
    return %add3A_1, %c0_i32 : i32, i32
  }
  func.func @transform_4(%arg0: i32) -> (i32, i32) {
    %mul3A = arith.constant 4 : i32
    %mul3A_0 = arith.muli %mul3A, %arg0 : i32
    %add3A = arith.constant 2 : i32
    %add3A_1 = arith.addi %mul3A_0, %add3A : i32
    %c0_i32 = arith.constant 0 : i32
    %c0_i32_2 = arith.constant 0 : i32
    return %add3A_1, %c0_i32 : i32, i32
  }
  func.func @transform_5(%arg0: i32) -> (i32, i32) {
    %mul3A = arith.constant 4 : i32
    %mul3A_0 = arith.muli %mul3A, %arg0 : i32
    %add3A = arith.constant 3 : i32
    %add3A_1 = arith.addi %mul3A_0, %add3A : i32
    %c0_i32 = arith.constant 0 : i32
    %c0_i32_2 = arith.constant 0 : i32
    return %add3A_1, %c0_i32 : i32, i32
  }
  func.func @transform_6(%arg0: i32) -> (i32, i32) {
    %c0_i32 = arith.constant 0 : i32
    %c0_i32_0 = arith.constant 0 : i32
    %c0_i32_1 = arith.constant 0 : i32
    return %c0_i32, %c0_i32_0 : i32, i32
  }
}

</mosaic_0001>

<sc_bundles>
// kernel: kernel.4.cloned.1.call-start
scs
__scs_entry_jumppad:
0x0: {  	(pc) =	sbr.rel $0x88, $3  }
0x1: {  	(tag) =	ssettag $0x0;
	lr =	simm.s32 $0x1  }
0x2: {  	[smem:$0x3F9F] =	sst lr;
	_ =	strace $0xD0000000  }
0x3: {  	_ = 	snop  }
0x4: {  	_ = 	snop  }
0x5: {  	_ = 	snop  }
0x6: {  	_ = 	snop  }
0x7: {  	_ = 	snop  }
__scs_overlays_trampoline_lowered:
0x8: {  	[smem:$0x3FAE] =	sst s0  }
0x9: {  	[smem:$0x3FAF] =	sst s1  }
0xa: {  	[smem:$0x3FB0] =	sst s2  }
0xb: {  	[smem:$0x3FB1] =	sst s3  }
0xc: {  	[smem:$0x3FB2] =	sst s4  }
0xd: {  	[smem:$0x3FB3] =	sst s5  }
0xe: {  	[smem:$0x3FB4] =	sst s6  }
0xf: {  	[smem:$0x3FB5] =	sst s7  }
0x10: {  	[smem:$0x3FB6] =	sst s8  }
0x11: {  	[smem:$0x3FB7] =	sst s9;
	s0 =	simm.s32 @!p0 $0x0  }
0x12: {  	s1 =	sld [smem:$0x3F9D];
	s0 =	simm.s32 @p0 $0x1  }
0x13: {  	[smem:$0x3FB8] =	sst s0;
	s0 =	simm.s32 @!p1 $0x0  }
0x14: {  	s2 =	sld [smem:$0x3F9C];
	s0 =	simm.s32 @p1 $0x1  }
0x15: {  	[smem:$0x3FB9] =	sst s0;
	s0 =	simm.s32 @!p2 $0x0  }
0x16: {  	s3 =	sld [smem:$0x3FDB];
	s0 =	simm.s32 @p2 $0x1  }
0x17: {  	s4 =	simm.s32 $0x1BF5;
	[smem:$0x3FBB] =	sst s0  }
0x18: {  	s0 =	sld [smem:$0x3F9E];
	_ =	swait.ge [sflag:s4], $0x0  }
0x19: {  	s7 =	sld [smem:$0x3F9F]  }
0x1a: {  	s8 =	sadd.s32 $0xFFFFE003, lr  }
0x1b: {  	s9 =	sadd.s32 $0xFFFFFEF7, lr;
	s5 =	simm.s32 $0xFFFFFFFF;
	p2 =	slt.u32 s8, $0xFFFFF086  }
0x1c: {  	p1 =	slt.u32 s9, $0xF7A;
	s5 =	simm.s32 @!p2 $0x0  }
0x1d: {  	s5 =	simm.s32 @p1 $0x1;
	p0 =	seq.s32 s7, s2  }
0x1e: {  	s7 =	smul.u32 @!p0 $0xF7A, s2;
	p2 =	seq.s32 @!p0 s5, $0x0  }
0x1f: {  	s9 =	smul.u32 $0xF7A, s1;
	s8 =	simm.s32 @!p0 $0x1BF5;
	p2 =	por !p2, p0  }
0x20: {  	[sflag:s8] =	ssyncset.s32 @!p0 $0xFFFFF086;
	s6 =	sadd.s32 @!p0 s3, s7;
	s7 =	simm.s32 @!p0 $0x108  }
0x21: {  	s3 =	sadd.s32 s3, s9;
	s6 =	sadd.s32 @!p0 $0x88, s6;
	s7 =	simm.s32 @p2 $0x1082  }
0x22: {  	[simem:s7], [sflag:s8] =	dma.local @!p0 [hbm:s6], $0xF7A  }
0x23: {  	s9 =	sor.u32 $0xD0000000, s2;
	s6 =	simm.s32 $0x108;
	_ =	swait.ge @!p0 [sflag:s8], $0x0  }
0x24: {  	s3 =	sadd.s32 $0x88, s3;
	s6 =	simm.s32 @!p1 $0x1082;
	[sflag:s4] =	ssyncset.s32 $0xFFFFF086  }
0x25: {  	[simem:s6], [sflag:s4] =	dma.local [hbm:s3], $0xF7A  }
0x26: {  	[smem:$0x3F9F] =	sst s1;
	(tag) =	ssettag s2;
	_ =	strace s9  }
0x27: {  	s1 =	sld [smem:$0x3FAF]  }
0x28: {  	s2 =	sld [smem:$0x3FB0]  }
0x29: {  	s4 =	sld [smem:$0x3FB2]  }
0x2a: {  	p0 =	seq.s32 s5, $0x0;
	s5 =	sld [smem:$0x3FB3]  }
0x2b: {  	s6 =	sld [smem:$0x3FB4]  }
0x2c: {  	s7 =	sld [smem:$0x3FB5]  }
0x2d: {  	s3 =	simm.s32 $0x108;
	s8 =	sld [smem:$0x3FB6]  }
0x2e: {  	s3 =	simm.s32 @!p0 $0x1082;
	s9 =	sld [smem:$0x3FB7]  }
0x2f: {  	lr =	sadd.s32 s0, s3;
	s0 =	sld [smem:$0x3FAE]  }
0x30: {  	s3 =	sld [smem:$0x3FB1]  }
0x31: {  	[smem:$0x3FBA] =	sst s10  }
0x32: {  	s10 =	sld [smem:$0x3FB8];
	_ =	sdelay $0x3  }
0x33: {  	p0 =	seq.s32 s10, $0x1;
	s10 =	sld [smem:$0x3FBA];
	_ =	sdelay $0x3  }
0x34: {  	[smem:$0x3FBA] =	sst s10  }
0x35: {  	s10 =	sld [smem:$0x3FB9];
	_ =	sdelay $0x3  }
0x36: {  	p1 =	seq.s32 s10, $0x1;
	s10 =	sld [smem:$0x3FBA];
	_ =	sdelay $0x3  }
0x37: {  	[smem:$0x3FBA] =	sst s10  }
0x38: {  	s10 =	sld [smem:$0x3FBB]  }
0x39: {  	_ = 	snop;
	(pc) =	sbr.ind lr, $3  }
0x3a: {  	_ = 	snop  }
0x3b: {  	_ = 	snop  }
0x3c: {  	p2 =	seq.s32 s10, $0x1;
	s10 =	sld [smem:$0x3FBA]  }
0x3d: {  	_ =	shalt  }
0x3e: {  	_ =	shalt  }
0x3f: {  	_ =	shalt  }
0x40: {  	_ =	shalt  }
0x41: {  	_ =	shalt  }
0x42: {  	_ =	shalt  }
0x43: {  	_ =	shalt  }
0x44: {  	_ =	shalt  }
0x45: {  	_ =	shalt  }
0x46: {  	_ =	shalt  }
0x47: {  	_ =	shalt  }
0x48: {  	_ =	shalt  }
0x49: {  	_ =	shalt  }
0x4a: {  	_ =	shalt  }
0x4b: {  	_ =	shalt  }
0x4c: {  	_ =	shalt  }
0x4d: {  	_ =	shalt  }
0x4e: {  	_ =	shalt  }
0x4f: {  	_ =	shalt  }
0x50: {  	_ =	shalt  }
0x51: {  	_ =	shalt  }
0x52: {  	_ =	shalt  }
0x53: {  	_ =	shalt  }
0x54: {  	_ =	shalt  }
0x55: {  	_ =	shalt  }
0x56: {  	_ =	shalt  }
0x57: {  	_ =	shalt  }
0x58: {  	_ =	shalt  }
0x59: {  	_ =	shalt  }
0x5a: {  	_ =	shalt  }
0x5b: {  	_ =	shalt  }
0x5c: {  	_ =	shalt  }
0x5d: {  	_ =	shalt  }
0x5e: {  	_ =	shalt  }
0x5f: {  	_ =	shalt  }
0x60: {  	_ =	shalt  }
0x61: {  	_ =	shalt  }
0x62: {  	_ =	shalt  }
0x63: {  	_ =	shalt  }
0x64: {  	_ =	shalt  }
0x65: {  	_ =	shalt  }
0x66: {  	_ =	shalt  }
0x67: {  	_ =	shalt  }
0x68: {  	_ =	shalt  }
0x69: {  	_ =	shalt  }
0x6a: {  	_ =	shalt  }
0x6b: {  	_ =	shalt  }
0x6c: {  	_ =	shalt  }
0x6d: {  	_ =	shalt  }
0x6e: {  	_ =	shalt  }
0x6f: {  	_ =	shalt  }
0x70: {  	_ =	shalt  }
0x71: {  	_ =	shalt  }
0x72: {  	_ =	shalt  }
0x73: {  	_ =	shalt  }
0x74: {  	_ =	shalt  }
0x75: {  	_ =	shalt  }
0x76: {  	_ =	shalt  }
0x77: {  	_ =	shalt  }
0x78: {  	_ =	shalt  }
0x79: {  	_ =	shalt  }
0x7a: {  	_ =	shalt  }
0x7b: {  	_ =	shalt  }
0x7c: {  	_ =	shalt  }
0x7d: {  	_ =	shalt  }
0x7e: {  	_ =	shalt  }
0x7f: {  	_ =	shalt  }
0x80: {  	_ =	shalt  }
0x81: {  	_ =	shalt  }
0x82: {  	_ =	shalt  }
0x83: {  	_ =	shalt  }
0x84: {  	_ =	shalt  }
0x85: {  	_ =	shalt  }
0x86: {  	_ =	shalt  }
0x87: {  	_ =	shalt  }
.Lfunc_end0:
.L_simem_size_0:
called_computation_lowered:
.L_overlay_start_0:
0x88: {  	s2 =	sld [smem:$0x3FD9]  }
0x89: {  	s3 =	sld [smem:$0x3FFE];
	_ =	sdelay $0x1  }
0x8a: {  	s1 =	srdreg.scid  }
0x8b: {  	s0 =	sand.u32 $0x1, s1  }
0x8c: {  	s17 =	sshll.u32 s0, $0xA;
	s2 =	sadd.s32 s3, s2  }
0x8d: {  	s2 =	sadd.s32 s2, s17  }
0x8e: {  	[smem:$0x3FC6] =	sst s2  }
0x8f: {  	_ = 	snop  }
0x90: {  	s2 =	sld [smem:$0x3FC8]  }
0x91: {  	s18 =	sld [smem:$0x3FD0];
	(tm) =	ssettm $0x1  }
0x92: {  	s4 =	sld [smem:$0x3FFB];
	_ =	sdelay $0x3  }
0x93: {  	_ =	strace s4  }
0x94: {  	s4 =	sld [smem:$0x3FFC];
	_ =	sdelay $0x3  }
0x95: {  	_ =	strace s4  }
0x96: {  	s4 =	sld [smem:$0x3FFD];
	_ =	sdelay $0x3  }
0x97: {  	_ =	strace s4  }
0x98: {  	_ =	strace $0x8FFFFFFF  }
0x99: {  	s19 =	sld [smem:$0x3FDB];
	_ =	sdelay $0x1  }
0x9a: {  	s5 =	simm.s32 $_scs_section_size  }
0x9b: {  	s6 =	simm.s32 $_size__tile_overlayer_lowered;
	s7 =	simm.s32 $_tile_overlayer_lowered  }
0x9c: {  	s22 =	simm.s32 $0x1BFF;
	s21 =	sshll.u32 s7, $0x1;
	s4 =	sadd.s32 s5, s19  }
0x9d: {  	s8 =	simm.s32 $0x0;
	s20 =	sshll.u32 s6, $0x1;
	s6 =	sadd.s32 s21, s4  }
0x9e: {  	[timem:s8], [sflag:s22] =	dma.local [hbm:s6], s20  }
0x9f: {  	_ =	swait.ge [sflag:s22], s20  }
0xa0: {  	s5 =	ssub.s32 $0x0, s20;
	[sflag:s22] =	ssyncset.done $0x0  }
0xa1: {  	[sflag:s22] =	ssyncadd.s32 s5;
	_ =	sdelay $0x1  }
0xa2: {  	s23 =	simm.s32 $0x1B8B  }
0xa3: {  	_ =	swait.ge [sflag:s23], $0x1  }
0xa4: {  	[sflag:s23] =	ssyncset.done $0x0  }
0xa5: {  	s25 =	simm.s32 $0x1B8E;
	s24 =	sld [smem:$0x3FFE];
	[sflag:s23] =	ssyncadd.s32 $0xFFFFFFFF  }
0xa6: {  	s26 =	simm.s32 $execute0_lowered;
	[smem:$0x3FD2] =	sst s25  }
0xa7: {  	s6 =	sshll.u32 s26, $0x1;
	_ =	strace $0x80000046;
	[dreg:$0x1] =	wrdreg $0xFFFFFFFF  }
0xa8: {  	s28 =	simm.s32 $_size_execute0_lowered;
	s4 =	sadd.s32 s4, s6;
	[dreg:$0x0] =	wrdreg $0x0  }
0xa9: {  	s6 =	sshll.u32 s28, $0x1;
	[dreg:$0x2] =	wrdreg s4  }
0xaa: {  	[dreg:$0x3] =	wrdreg s6  }
0xab: {  	[dreg:$0x4] =	wrdreg $0xC0  }
0xac: {  	_ =	task [dreg:s8], $0x5FFFF  }
0xad: {  	[dreg:$0x1] =	wrdreg $0xFFFFFFFF  }
0xae: {  	[dreg:$0x0] =	wrdreg $0x60  }
0xaf: {  	[dreg:$0x2] =	wrdreg s24  }
0xb0: {  	[dreg:$0x3] =	wrdreg s2  }
0xb1: {  	[dreg:$0x4] =	wrdreg s18  }
0xb2: {  	[dreg:$0x5] =	wrdreg $0x9  }
0xb3: {  	_ =	task.clear_ibuf [dreg:s8], $0x6FFFF;
	_ =	strace $0x90000046  }
0xb4: {  	s29 =	simm.s32 $0x9;
	_ =	strace $0x80000048  }
0xb5: {  	_ =	swait.ge [sflag:s29], $0x1  }
0xb6: {  	[sflag:s29] =	ssyncadd.s32 $0xFFFFFFFF  }
0xb7: {  	_ =	strace $0x90000048  }
0xb8: {  	_ =	sfence  }
0xb9: {  	s30 =	sld [smem:$0x0];
	_ =	sdelay $0x2  }
0xba: {  	s31 =	sshll.u32 s1, $0xD;
	s1 =	sshrl.u32 s1, $0x2  }
0xbb: {  	s3 =	sand.u32 $0x4000, s31;
	s1 =	sadd.s32 s1, s30  }
0xbc: {  	s0 =	sor.u32 s3, s0;
	s1 =	sshll.u32 s1, $0x11  }
0xbd: {  	s0 =	sor.u32 s1, s0  }
0xbe: {  	s0 =	sadd.s32 $0x8F2B, s0  }
0xbf: {  	[sflag:s0] =	ssyncadd.remote.s32 $0x1  }
0xc0: {  	_ =	sfence.sel $0xFFFF  }
0xc1: {  	[dreg:$0x0] =	wrdreg $0xFFFFFFFF;
	(pc) =	sbr.abs _section_cstart, $3  }
0xc2: {  	[dreg:$0x1] =	wrdreg $0xFFFFFFFF  }
0xc3: {  	_ =	task.clear_ibuf [dreg:s8], $0x2FFFF;
	_ =	strace $0x9FFFFFFF  }
0xc4: {  	(tm) =	ssettm $0x7FFFFFFF  }
0xc5: {  	_ =	shalt  }
tec
execute0_lowered:
.L_overlay_start_1:
0x0: {  	(tag) =	ssettag $0x1  }
0x1: {  	s1 =	stileid.u32  }
0x2: {  	p0 =	sgt.u32 s1, $0x3  }
.Ltmp0:
0x3: {  	s11 =	rddreg [dreg:$0x0];
	(pc) =	sbr.rel @p0 .LBB2_3-.Ltmp0, $4  }
0x4: {  	s3 =	rddreg [dreg:$0x1]  }
0x5: {  	s4 =	rddreg [dreg:$0x2];
	s2 =	simm.s32 $0x0  }
0x6: {  	[smem:$0x7FF] =	sst s2  }
0x7: {  	s0 =	rddreg [dreg:$0x3];
	_ =	strace $0x80000047  }
0x8: {  	s22 =	simm.s32 $0x88  }
0x9: {  	s23 =	simm.s32 $0x90;
	[dreg:$0x6] =	wrdreg s22  }
0xa: {  	s24 =	simm.s32 $0x98;
	[dreg:$0x7] =	wrdreg s23  }
0xb: {  	s7 =	simm.s32 $0xA0;
	[dreg:$0x8] =	wrdreg s24  }
0xc: {  	s5 =	srdreg.scid;
	s8 =	simm.s32 $0xA8;
	[dreg:$0x9] =	wrdreg s7  }
0xd: {  	s21 =	sshll.u32 s1, $0x1;
	s9 =	simm.s32 $0xB0;
	[dreg:$0xa] =	wrdreg s8  }
0xe: {  	s10 =	simm.s32 $0xB8;
	s12 =	simm.s32 $0xC0;
	[dreg:$0xb] =	wrdreg s9  }
0xf: {  	s25 =	simm.s32 $0xC8;
	s14 =	simm.s32 $0xD0;
	[dreg:$0xc] =	wrdreg s10  }
0x10: {  	s26 =	simm.s32 $0xD8;
	s28 =	simm.s32 $0xE0;
	[dreg:$0xd] =	wrdreg s12  }
0x11: {  	s29 =	simm.s32 $0xE8;
	s30 =	simm.s32 $0xF0;
	[dreg:$0xe] =	wrdreg s25  }
0x12: {  	s31 =	simm.s32 $0xF8;
	s17 =	simm.s32 $0x100;
	[dreg:$0xf] =	wrdreg s14  }
0x13: {  	s16 =	simm.s32 $0x80;
	s13 =	sand.u32 $0x1, s5;
	[dreg:$0x10] =	wrdreg s26  }
0x14: {  	s7 =	sadd.s32 $0x630, s11;
	s8 =	sadd.s32 $0x640, s11;
	[dreg:$0x11] =	wrdreg s28  }
0x15: {  	s9 =	sadd.s32 $0x650, s11;
	s10 =	sadd.s32 $0x660, s11;
	[dreg:$0x12] =	wrdreg s29  }
0x16: {  	[dreg:$0x13] =	wrdreg s30;
	s14 =	simm.s32 $0x2;
	s5 =	sor.u32 s13, s21  }
0x17: {  	[dreg:$0x14] =	wrdreg s31;
	s13 =	ssub.s32 $0x2, s13;
	s6 =	sshll.u32 s5, $0x1  }
0x18: {  	[dreg:$0x15] =	wrdreg s17;
	s15 =	sshrl.u32 s13, $0x1;
	s4 =	sadd.s32 s4, s6  }
0x19: {  	s3 =	sadd.s32 s3, s6;
	s6 =	sadd.s32 $0x620, s11;
	s13 =	ssub.s32 s13, s15  }
0x1a: {  	s15 =	simm.s32 $0x1;
	[dreg:$0x4] =	wrdreg s4;
	s4 =	smul.u32 $0x187000, s5  }
0x1b: {  	v0 =	vlaneseq.u32;
	[dreg:$0x5] =	wrdreg s3;
	s3 =	sadd.s32 $0x600, s11;
	s5 =	sadd.s32 $0x610, s11  }
0x1c: {  	v0 =	vmul.u32 $0x8, v0;
	s11 =	sadd.s32 $0x670, s11;
	s13 =	smax.u32 s13, $0x1;
	s12 =	sadd.s32 $0xC3800, s4  }
.LBB2_2:
0x1d: {  	s17 =	rddreg [dreg:$0x5]  }
0x1e: {  	[tilespmem:s2], [sflag:$0x2] =	stream.linear.gather [hbm4b:s17+s2], $0x10, $0x38;
	[tilespmem:$0x180] =	vst v63  }
0x1f: {  	_ =	swait.ge [sflag:s14], $0x10  }
0x20: {  	[sflag:s14] =	ssyncset.done $0x0  }
0x21: {  	[sflag:s14] =	ssyncadd.s32 $0xFFFFFFF0  }
0x22: {  	v1 =	vld [tilespmem:$0x0];
	_ =	sdelay $0x4  }
0x23: {  	(v2sf) =	vpush v1, $0x0;
	_ =	sdelay $0x8  }
0x24: {  	(v2sf) =	vpush v1, $0x1;
	_ =	sdelay $0x5  }
0x25: {  	s28 =	spop (v2sf)  }
0x26: {  	s18 =	sand.u32 $0x7, s28  }
0x27: {  	s29 =	sshra.s32 s28, $0x1F;
	p1 =	slt.s32 s28, $0x1;
	p0 =	sne.s32 s18, $0x0  }
0x28: {  	s18 =	sshrl.u32 s29, $0x1D;
	p0 =	por !p1, !p0  }
0x29: {  	(v2sf) =	vpush v1, $0x2;
	s17 =	sadd.s32 s18, s28;
	s18 =	simm.s32 $0x1;
	p0 =	por !p0, !p0  }
0x2a: {  	s17 =	sshra.s32 s17, $0x3;
	s18 =	simm.s32 @!p0 $0x0  }
0x2b: {  	s17 =	ssub.s32 s17, s18  }
0x2c: {  	s18 =	sshll.u32 s17, $0x6  }
0x2d: {  	s17 =	sshll.u32 s17, $0x3;
	s18 =	sand.u32 $0xFFFFFC00, s18  }
0x2e: {  	s30 =	spop (v2sf);
	s17 =	sand.u32 $0x78, s17;
	s18 =	sadd.s32 s4, s18  }
0x2f: {  	s31 =	sand.u32 $0x7, s30;
	s19 =	sshra.s32 s30, $0x1F;
	s17 =	sor.u32 s17, s18  }
0x30: {  	p2 =	slt.s32 s30, $0x1;
	p1 =	sne.s32 s31, $0x0;
	s17 =	sshrl.u32 s17, $0x3  }
0x31: {  	p0 =	por !p2, !p1;
	s18 =	sshrl.u32 s19, $0x1D;
	s17 =	sadd.s32 s3, s17  }
0x32: {  	[tilespmem:s16], [sflag:$0x1] =	stream.linear.gather [hbm4b:s17+s2], $0x8, $0x38;
	[tilespmem:$0x180] =	vst v63  }
0x33: {  	(v2sf) =	vpush v1, $0x3;
	p0 =	por !p0, !p0;
	s17 =	sadd.s32 s18, s30;
	s18 =	simm.s32 $0x1  }
0x34: {  	s17 =	sshra.s32 s17, $0x3;
	s18 =	simm.s32 @!p0 $0x0  }
0x35: {  	s17 =	ssub.s32 s17, s18  }
0x36: {  	s18 =	sshll.u32 s17, $0x6  }
0x37: {  	s20 =	rddreg [dreg:$0x6];
	s17 =	sshll.u32 s17, $0x3;
	s18 =	sand.u32 $0xFFFFFC00, s18  }
0x38: {  	s21 =	spop (v2sf);
	s17 =	sand.u32 $0x78, s17;
	s18 =	sadd.s32 s4, s18  }
0x39: {  	s22 =	sand.u32 $0x7, s21;
	s23 =	sshra.s32 s21, $0x1F;
	s17 =	sor.u32 s17, s18  }
0x3a: {  	p4 =	slt.s32 s21, $0x1;
	p3 =	sne.s32 s22, $0x0;
	s17 =	sshrl.u32 s17, $0x3  }
0x3b: {  	p0 =	por !p4, !p3;
	s18 =	sshrl.u32 s23, $0x1D;
	s17 =	sadd.s32 s17, s5  }
0x3c: {  	[tilespmem:s20], [sflag:$0x1] =	stream.linear.gather [hbm4b:s17+s2], $0x8, $0x38;
	[tilespmem:$0x180] =	vst v63  }
0x3d: {  	(v2sf) =	vpush v1, $0x4;
	p0 =	por !p0, !p0;
	s17 =	sadd.s32 s18, s21;
	s18 =	simm.s32 $0x1  }
0x3e: {  	s17 =	sshra.s32 s17, $0x3;
	s18 =	simm.s32 @!p0 $0x0  }
0x3f: {  	s17 =	ssub.s32 s17, s18  }
0x40: {  	s18 =	sshll.u32 s17, $0x6  }
0x41: {  	s24 =	rddreg [dreg:$0x7];
	s17 =	sshll.u32 s17, $0x3;
	s18 =	sand.u32 $0xFFFFFC00, s18  }
0x42: {  	s25 =	spop (v2sf);
	s17 =	sand.u32 $0x78, s17;
	s18 =	sadd.s32 s4, s18  }
0x43: {  	s26 =	sand.u32 $0x7, s25;
	s28 =	sshra.s32 s25, $0x1F;
	s17 =	sor.u32 s17, s18  }
0x44: {  	p6 =	slt.s32 s25, $0x1;
	p5 =	sne.s32 s26, $0x0;
	s17 =	sshrl.u32 s17, $0x3  }
0x45: {  	p0 =	por !p6, !p5;
	s18 =	sshrl.u32 s28, $0x1D;
	s17 =	sadd.s32 s17, s6  }
0x46: {  	[tilespmem:s24], [sflag:$0x1] =	stream.linear.gather [hbm4b:s17+s2], $0x8, $0x38;
	[tilespmem:$0x180] =	vst v63  }
0x47: {  	(v2sf) =	vpush v1, $0x5;
	p0 =	por !p0, !p0;
	s17 =	sadd.s32 s18, s25;
	s18 =	simm.s32 $0x1  }
0x48: {  	s17 =	sshra.s32 s17, $0x3;
	s18 =	simm.s32 @!p0 $0x0  }
0x49: {  	s17 =	ssub.s32 s17, s18  }
0x4a: {  	s18 =	sshll.u32 s17, $0x6  }
0x4b: {  	s29 =	rddreg [dreg:$0x8];
	s17 =	sshll.u32 s17, $0x3;
	s18 =	sand.u32 $0xFFFFFC00, s18  }
0x4c: {  	s30 =	spop (v2sf);
	s17 =	sand.u32 $0x78, s17;
	s18 =	sadd.s32 s4, s18  }
0x4d: {  	s31 =	sand.u32 $0x7, s30;
	s19 =	sshra.s32 s30, $0x1F;
	s17 =	sor.u32 s17, s18  }
0x4e: {  	p2 =	slt.s32 s30, $0x1;
	p1 =	sne.s32 s31, $0x0;
	s17 =	sshrl.u32 s17, $0x3  }
0x4f: {  	p0 =	por !p2, !p1;
	s18 =	sshrl.u32 s19, $0x1D;
	s17 =	sadd.s32 s17, s7  }
0x50: {  	[tilespmem:s29], [sflag:$0x1] =	stream.linear.gather [hbm4b:s17+s2], $0x8, $0x38;
	[tilespmem:$0x180] =	vst v63  }
0x51: {  	(v2sf) =	vpush v1, $0x6;
	p0 =	por !p0, !p0;
	s17 =	sadd.s32 s18, s30;
	s18 =	simm.s32 $0x1  }
0x52: {  	s17 =	sshra.s32 s17, $0x3;
	s18 =	simm.s32 @!p0 $0x0  }
0x53: {  	s17 =	ssub.s32 s17, s18  }
0x54: {  	s18 =	sshll.u32 s17, $0x6  }
0x55: {  	s20 =	rddreg [dreg:$0x9];
	s17 =	sshll.u32 s17, $0x3;
	s18 =	sand.u32 $0xFFFFFC00, s18  }
0x56: {  	s21 =	spop (v2sf);
	s17 =	sand.u32 $0x78, s17;
	s18 =	sadd.s32 s4, s18  }
0x57: {  	s22 =	sand.u32 $0x7, s21;
	s23 =	sshra.s32 s21, $0x1F;
	s17 =	sor.u32 s17, s18  }
0x58: {  	p4 =	slt.s32 s21, $0x1;
	p3 =	sne.s32 s22, $0x0;
	s17 =	sshrl.u32 s17, $0x3  }
0x59: {  	p0 =	por !p4, !p3;
	s18 =	sshrl.u32 s23, $0x1D;
	s17 =	sadd.s32 s17, s8  }
0x5a: {  	[tilespmem:s20], [sflag:$0x1] =	stream.linear.gather [hbm4b:s17+s2], $0x8, $0x38;
	[tilespmem:$0x180] =	vst v63  }
0x5b: {  	(v2sf) =	vpush v1, $0x7;
	p0 =	por !p0, !p0;
	s17 =	sadd.s32 s18, s21;
	s18 =	simm.s32 $0x1  }
0x5c: {  	s17 =	sshra.s32 s17, $0x3;
	s18 =	simm.s32 @!p0 $0x0  }
0x5d: {  	s17 =	ssub.s32 s17, s18  }
0x5e: {  	s18 =	sshll.u32 s17, $0x6  }
0x5f: {  	s24 =	rddreg [dreg:$0xa];
	s17 =	sshll.u32 s17, $0x3;
	s18 =	sand.u32 $0xFFFFFC00, s18  }
0x60: {  	s25 =	spop (v2sf);
	s17 =	sand.u32 $0x78, s17;
	s18 =	sadd.s32 s4, s18  }
0x61: {  	s26 =	sand.u32 $0x7, s25;
	s28 =	sshra.s32 s25, $0x1F;
	s17 =	sor.u32 s17, s18  }
0x62: {  	p6 =	slt.s32 s25, $0x1;
	p5 =	sne.s32 s26, $0x0;
	s17 =	sshrl.u32 s17, $0x3  }
0x63: {  	p0 =	por !p6, !p5;
	s18 =	sshrl.u32 s28, $0x1D;
	s17 =	sadd.s32 s17, s9  }
0x64: {  	[tilespmem:s24], [sflag:$0x1] =	stream.linear.gather [hbm4b:s17+s2], $0x8, $0x38;
	[tilespmem:$0x180] =	vst v63  }
0x65: {  	(v2sf) =	vpush v1, $0x8;
	p0 =	por !p0, !p0;
	s17 =	sadd.s32 s18, s25;
	s18 =	simm.s32 $0x1  }
0x66: {  	s17 =	sshra.s32 s17, $0x3;
	s18 =	simm.s32 @!p0 $0x0  }
0x67: {  	s17 =	ssub.s32 s17, s18  }
0x68: {  	s18 =	sshll.u32 s17, $0x6  }
0x69: {  	s29 =	rddreg [dreg:$0xb];
	s17 =	sshll.u32 s17, $0x3;
	s18 =	sand.u32 $0xFFFFFC00, s18  }
0x6a: {  	s30 =	spop (v2sf);
	s17 =	sand.u32 $0x78, s17;
	s18 =	sadd.s32 s4, s18  }
0x6b: {  	s31 =	sand.u32 $0x7, s30;
	s19 =	sshra.s32 s30, $0x1F;
	s17 =	sor.u32 s17, s18  }
0x6c: {  	p2 =	slt.s32 s30, $0x1;
	p1 =	sne.s32 s31, $0x0;
	s17 =	sshrl.u32 s17, $0x3  }
0x6d: {  	p0 =	por !p2, !p1;
	s18 =	sshrl.u32 s19, $0x1D;
	s17 =	sadd.s32 s17, s10  }
0x6e: {  	[tilespmem:s29], [sflag:$0x1] =	stream.linear.gather [hbm4b:s17+s2], $0x8, $0x38;
	[tilespmem:$0x180] =	vst v63  }
0x6f: {  	(v2sf) =	vpush v1, $0x9;
	p0 =	por !p0, !p0;
	s17 =	sadd.s32 s18, s30;
	s18 =	simm.s32 $0x1  }
0x70: {  	s17 =	sshra.s32 s17, $0x3;
	s18 =	simm.s32 @!p0 $0x0  }
0x71: {  	s17 =	ssub.s32 s17, s18  }
0x72: {  	s18 =	sshll.u32 s17, $0x6  }
0x73: {  	s20 =	rddreg [dreg:$0xc];
	s17 =	sshll.u32 s17, $0x3;
	s18 =	sand.u32 $0xFFFFFC00, s18  }
0x74: {  	s21 =	spop (v2sf);
	s17 =	sand.u32 $0x78, s17;
	s18 =	sadd.s32 s4, s18  }
0x75: {  	s22 =	sand.u32 $0x7, s21;
	s23 =	sshra.s32 s21, $0x1F;
	s17 =	sor.u32 s17, s18  }
0x76: {  	p4 =	slt.s32 s21, $0x1;
	p3 =	sne.s32 s22, $0x0;
	s17 =	sshrl.u32 s17, $0x3  }
0x77: {  	p0 =	por !p4, !p3;
	s18 =	sshrl.u32 s23, $0x1D;
	s17 =	sadd.s32 s17, s11  }
0x78: {  	[tilespmem:s20], [sflag:$0x1] =	stream.linear.gather [hbm4b:s17+s2], $0x8, $0x38;
	[tilespmem:$0x180] =	vst v63  }
0x79: {  	(v2sf) =	vpush v1, $0xA;
	p0 =	por !p0, !p0;
	s17 =	sadd.s32 s18, s21;
	s18 =	simm.s32 $0x1  }
0x7a: {  	s17 =	sshra.s32 s17, $0x3;
	s18 =	simm.s32 @!p0 $0x0  }
0x7b: {  	s17 =	ssub.s32 s17, s18  }
0x7c: {  	s18 =	sshll.u32 s17, $0x6  }
0x7d: {  	s24 =	rddreg [dreg:$0xd];
	s17 =	sshll.u32 s17, $0x3;
	s18 =	sand.u32 $0xFFFFFC00, s18  }
0x7e: {  	s25 =	spop (v2sf);
	s17 =	sand.u32 $0x78, s17;
	s18 =	sadd.s32 s12, s18  }
0x7f: {  	s26 =	sand.u32 $0x7, s25;
	s28 =	sshra.s32 s25, $0x1F;
	s17 =	sor.u32 s17, s18  }
0x80: {  	p6 =	slt.s32 s25, $0x1;
	p5 =	sne.s32 s26, $0x0;
	s17 =	sshrl.u32 s17, $0x3  }
0x81: {  	p0 =	por !p6, !p5;
	s18 =	sshrl.u32 s28, $0x1D;
	s17 =	sadd.s32 s3, s17  }
0x82: {  	[tilespmem:s24], [sflag:$0x1] =	stream.linear.gather [hbm4b:s17+s2], $0x8, $0x38;
	[tilespmem:$0x180] =	vst v63  }
0x83: {  	(v2sf) =	vpush v1, $0xB;
	p0 =	por !p0, !p0;
	s17 =	sadd.s32 s18, s25;
	s18 =	simm.s32 $0x1  }
0x84: {  	s17 =	sshra.s32 s17, $0x3;
	s18 =	simm.s32 @!p0 $0x0  }
0x85: {  	s17 =	ssub.s32 s17, s18  }
0x86: {  	s18 =	sshll.u32 s17, $0x6  }
0x87: {  	s29 =	rddreg [dreg:$0xe];
	s17 =	sshll.u32 s17, $0x3;
	s18 =	sand.u32 $0xFFFFFC00, s18  }
0x88: {  	s30 =	spop (v2sf);
	s17 =	sand.u32 $0x78, s17;
	s18 =	sadd.s32 s12, s18  }
0x89: {  	s31 =	sand.u32 $0x7, s30;
	s19 =	sshra.s32 s30, $0x1F;
	s17 =	sor.u32 s17, s18  }
0x8a: {  	p2 =	slt.s32 s30, $0x1;
	p1 =	sne.s32 s31, $0x0;
	s17 =	sshrl.u32 s17, $0x3  }
0x8b: {  	p0 =	por !p2, !p1;
	s18 =	sshrl.u32 s19, $0x1D;
	s17 =	sadd.s32 s17, s5  }
0x8c: {  	[tilespmem:s29], [sflag:$0x1] =	stream.linear.gather [hbm4b:s17+s2], $0x8, $0x38;
	[tilespmem:$0x180] =	vst v63  }
0x8d: {  	(v2sf) =	vpush v1, $0xC;
	p0 =	por !p0, !p0;
	s17 =	sadd.s32 s18, s30;
	s18 =	simm.s32 $0x1  }
0x8e: {  	s17 =	sshra.s32 s17, $0x3;
	s18 =	simm.s32 @!p0 $0x0  }
0x8f: {  	s17 =	ssub.s32 s17, s18  }
0x90: {  	s18 =	sshll.u32 s17, $0x6  }
0x91: {  	s20 =	rddreg [dreg:$0xf];
	s17 =	sshll.u32 s17, $0x3;
	s18 =	sand.u32 $0xFFFFFC00, s18  }
0x92: {  	s21 =	spop (v2sf);
	s17 =	sand.u32 $0x78, s17;
	s18 =	sadd.s32 s12, s18  }
0x93: {  	s22 =	sand.u32 $0x7, s21;
	s23 =	sshra.s32 s21, $0x1F;
	s17 =	sor.u32 s17, s18  }
0x94: {  	p4 =	slt.s32 s21, $0x1;
	p3 =	sne.s32 s22, $0x0;
	s17 =	sshrl.u32 s17, $0x3  }
0x95: {  	p0 =	por !p4, !p3;
	s18 =	sshrl.u32 s23, $0x1D;
	s17 =	sadd.s32 s17, s6  }
0x96: {  	[tilespmem:s20], [sflag:$0x1] =	stream.linear.gather [hbm4b:s17+s2], $0x8, $0x38;
	[tilespmem:$0x180] =	vst v63  }
0x97: {  	(v2sf) =	vpush v1, $0xD;
	p0 =	por !p0, !p0;
	s17 =	sadd.s32 s18, s21;
	s18 =	simm.s32 $0x1  }
0x98: {  	s17 =	sshra.s32 s17, $0x3;
	s18 =	simm.s32 @!p0 $0x0  }
0x99: {  	s17 =	ssub.s32 s17, s18  }
0x9a: {  	s18 =	sshll.u32 s17, $0x6  }
0x9b: {  	s24 =	rddreg [dreg:$0x10];
	s17 =	sshll.u32 s17, $0x3;
	s18 =	sand.u32 $0xFFFFFC00, s18  }
0x9c: {  	s25 =	spop (v2sf);
	s17 =	sand.u32 $0x78, s17;
	s18 =	sadd.s32 s12, s18  }
0x9d: {  	s26 =	sand.u32 $0x7, s25;
	s28 =	sshra.s32 s25, $0x1F;
	s17 =	sor.u32 s17, s18  }
0x9e: {  	p6 =	slt.s32 s25, $0x1;
	p5 =	sne.s32 s26, $0x0;
	s17 =	sshrl.u32 s17, $0x3  }
0x9f: {  	p0 =	por !p6, !p5;
	s18 =	sshrl.u32 s28, $0x1D;
	s17 =	sadd.s32 s17, s7  }
0xa0: {  	[tilespmem:s24], [sflag:$0x1] =	stream.linear.gather [hbm4b:s17+s2], $0x8, $0x38;
	[tilespmem:$0x180] =	vst v63  }
0xa1: {  	(v2sf) =	vpush v1, $0xE;
	p0 =	por !p0, !p0;
	s17 =	sadd.s32 s18, s25;
	s18 =	simm.s32 $0x1  }
0xa2: {  	s17 =	sshra.s32 s17, $0x3;
	s18 =	simm.s32 @!p0 $0x0  }
0xa3: {  	s17 =	ssub.s32 s17, s18  }
0xa4: {  	s18 =	sshll.u32 s17, $0x6  }
0xa5: {  	s29 =	rddreg [dreg:$0x11];
	s17 =	sshll.u32 s17, $0x3;
	s18 =	sand.u32 $0xFFFFFC00, s18  }
0xa6: {  	s30 =	spop (v2sf);
	s17 =	sand.u32 $0x78, s17;
	s18 =	sadd.s32 s12, s18  }
0xa7: {  	s31 =	sand.u32 $0x7, s30;
	s19 =	sshra.s32 s30, $0x1F;
	s17 =	sor.u32 s17, s18  }
0xa8: {  	p2 =	slt.s32 s30, $0x1;
	p1 =	sne.s32 s31, $0x0;
	s17 =	sshrl.u32 s17, $0x3  }
0xa9: {  	p0 =	por !p2, !p1;
	s18 =	sshrl.u32 s19, $0x1D;
	s17 =	sadd.s32 s17, s8  }
0xaa: {  	[tilespmem:s29], [sflag:$0x1] =	stream.linear.gather [hbm4b:s17+s2], $0x8, $0x38;
	[tilespmem:$0x180] =	vst v63  }
0xab: {  	(v2sf) =	vpush v1, $0xF;
	p0 =	por !p0, !p0;
	s17 =	sadd.s32 s18, s30;
	s18 =	simm.s32 $0x1  }
0xac: {  	s17 =	sshra.s32 s17, $0x3;
	s18 =	simm.s32 @!p0 $0x0  }
0xad: {  	s17 =	ssub.s32 s17, s18  }
0xae: {  	s18 =	sshll.u32 s17, $0x6  }
0xaf: {  	s20 =	rddreg [dreg:$0x12];
	s17 =	sshll.u32 s17, $0x3;
	s18 =	sand.u32 $0xFFFFFC00, s18  }
0xb0: {  	s21 =	spop (v2sf);
	s17 =	sand.u32 $0x78, s17;
	s18 =	sadd.s32 s12, s18  }
0xb1: {  	s22 =	sand.u32 $0x7, s21;
	s23 =	sshra.s32 s21, $0x1F;
	s17 =	sor.u32 s17, s18  }
0xb2: {  	p4 =	slt.s32 s21, $0x1;
	p3 =	sne.s32 s22, $0x0;
	s17 =	sshrl.u32 s17, $0x3  }
0xb3: {  	p0 =	por !p4, !p3;
	s18 =	sshrl.u32 s23, $0x1D;
	s17 =	sadd.s32 s17, s9  }
0xb4: {  	[tilespmem:s20], [sflag:$0x1] =	stream.linear.gather [hbm4b:s17+s2], $0x8, $0x38;
	[tilespmem:$0x180] =	vst v63  }
0xb5: {  	p0 =	por !p0, !p0;
	s17 =	sadd.s32 s18, s21;
	s18 =	simm.s32 $0x1  }
0xb6: {  	s17 =	sshra.s32 s17, $0x3;
	s18 =	simm.s32 @!p0 $0x0  }
0xb7: {  	s17 =	ssub.s32 s17, s18  }
0xb8: {  	s18 =	sshll.u32 s17, $0x6  }
0xb9: {  	s24 =	rddreg [dreg:$0x13];
	s17 =	sshll.u32 s17, $0x3;
	s18 =	sand.u32 $0xFFFFFC00, s18  }
0xba: {  	s25 =	spop (v2sf);
	s17 =	sand.u32 $0x78, s17;
	s18 =	sadd.s32 s12, s18  }
0xbb: {  	s26 =	sand.u32 $0x7, s25;
	s28 =	sshra.s32 s25, $0x1F;
	s17 =	sor.u32 s17, s18  }
0xbc: {  	p6 =	slt.s32 s25, $0x1;
	p5 =	sne.s32 s26, $0x0;
	s17 =	sshrl.u32 s17, $0x3  }
0xbd: {  	p0 =	por !p6, !p5;
	s18 =	sshrl.u32 s28, $0x1D;
	s17 =	sadd.s32 s17, s10  }
0xbe: {  	[tilespmem:s24], [sflag:$0x1] =	stream.linear.gather [hbm4b:s17+s2], $0x8, $0x38;
	[tilespmem:$0x180] =	vst v63  }
0xbf: {  	p0 =	por !p0, !p0;
	s17 =	sadd.s32 s18, s25;
	s18 =	simm.s32 $0x1  }
0xc0: {  	s17 =	sshra.s32 s17, $0x3;
	s18 =	simm.s32 @!p0 $0x0  }
0xc1: {  	s17 =	ssub.s32 s17, s18  }
0xc2: {  	s18 =	sshll.u32 s17, $0x6  }
0xc3: {  	s17 =	sshll.u32 s17, $0x3;
	s18 =	sand.u32 $0xFFFFFC00, s18  }
0xc4: {  	s17 =	sand.u32 $0x78, s17;
	s18 =	sadd.s32 s12, s18  }
0xc5: {  	s17 =	sor.u32 s17, s18  }
0xc6: {  	s17 =	sshrl.u32 s17, $0x3  }
0xc7: {  	s29 =	rddreg [dreg:$0x14];
	s17 =	sadd.s32 s17, s11  }
0xc8: {  	[tilespmem:s29], [sflag:$0x1] =	stream.linear.gather [hbm4b:s17+s2], $0x8, $0x38;
	[tilespmem:$0x180] =	vst v63  }
0xc9: {  	_ =	swait.ge [sflag:s15], $0x8  }
0xca: {  	[sflag:s15] =	ssyncset.done $0x0  }
0xcb: {  	[sflag:s15] =	ssyncadd.s32 $0xFFFFFFF8  }
0xcc: {  	_ =	swait.ge [sflag:s15], $0x8  }
0xcd: {  	[sflag:s15] =	ssyncset.done $0x0  }
0xce: {  	[sflag:s15] =	ssyncadd.s32 $0xFFFFFFF8  }
0xcf: {  	_ =	swait.ge [sflag:s15], $0x8  }
0xd0: {  	[sflag:s15] =	ssyncset.done $0x0  }
0xd1: {  	[sflag:s15] =	ssyncadd.s32 $0xFFFFFFF8  }
0xd2: {  	_ =	swait.ge [sflag:s15], $0x8  }
0xd3: {  	[sflag:s15] =	ssyncset.done $0x0  }
0xd4: {  	[sflag:s15] =	ssyncadd.s32 $0xFFFFFFF8  }
0xd5: {  	_ =	swait.ge [sflag:s15], $0x8  }
0xd6: {  	[sflag:s15] =	ssyncset.done $0x0  }
0xd7: {  	[sflag:s15] =	ssyncadd.s32 $0xFFFFFFF8  }
0xd8: {  	_ =	swait.ge [sflag:s15], $0x8  }
0xd9: {  	[sflag:s15] =	ssyncset.done $0x0  }
0xda: {  	[sflag:s15] =	ssyncadd.s32 $0xFFFFFFF8  }
0xdb: {  	_ =	swait.ge [sflag:s15], $0x8  }
0xdc: {  	[sflag:s15] =	ssyncset.done $0x0  }
0xdd: {  	[sflag:s15] =	ssyncadd.s32 $0xFFFFFFF8  }
0xde: {  	_ =	swait.ge [sflag:s15], $0x8  }
0xdf: {  	[sflag:s15] =	ssyncset.done $0x0  }
0xe0: {  	[sflag:s15] =	ssyncadd.s32 $0xFFFFFFF8  }
0xe1: {  	_ =	swait.ge [sflag:s15], $0x8  }
0xe2: {  	[sflag:s15] =	ssyncset.done $0x0  }
0xe3: {  	[sflag:s15] =	ssyncadd.s32 $0xFFFFFFF8  }
0xe4: {  	_ =	swait.ge [sflag:s15], $0x8  }
0xe5: {  	[sflag:s15] =	ssyncset.done $0x0  }
0xe6: {  	[sflag:s15] =	ssyncadd.s32 $0xFFFFFFF8  }
0xe7: {  	_ =	swait.ge [sflag:s15], $0x8  }
0xe8: {  	[sflag:s15] =	ssyncset.done $0x0  }
0xe9: {  	[sflag:s15] =	ssyncadd.s32 $0xFFFFFFF8  }
0xea: {  	_ =	swait.ge [sflag:s15], $0x8  }
0xeb: {  	[sflag:s15] =	ssyncset.done $0x0  }
0xec: {  	[sflag:s15] =	ssyncadd.s32 $0xFFFFFFF8  }
0xed: {  	_ =	swait.ge [sflag:s15], $0x8  }
0xee: {  	[sflag:s15] =	ssyncset.done $0x0  }
0xef: {  	[sflag:s15] =	ssyncadd.s32 $0xFFFFFFF8  }
0xf0: {  	_ =	swait.ge [sflag:s15], $0x8  }
0xf1: {  	[sflag:s15] =	ssyncset.done $0x0  }
0xf2: {  	[sflag:s15] =	ssyncadd.s32 $0xFFFFFFF8  }
0xf3: {  	_ =	swait.ge [sflag:s15], $0x8  }
0xf4: {  	[sflag:s15] =	ssyncset.done $0x0  }
0xf5: {  	[sflag:s15] =	ssyncadd.s32 $0xFFFFFFF8  }
0xf6: {  	_ =	swait.ge [sflag:s15], $0x8  }
0xf7: {  	[sflag:s15] =	ssyncset.done $0x0  }
0xf8: {  	[sflag:s15] =	ssyncadd.s32 $0xFFFFFFF8  }
0xf9: {  	v1 =	vld [tilespmem:$0x0];
	_ =	sdelay $0x4  }
0xfa: {  	v1 =	vand.u32 $0x7, v1  }
0xfb: {  	v1 =	vor.u32 v0, v1;
	_ =	sdelay $0x4  }
0xfc: {  	v1 =	vld.idx.msk [tilespmem:v1+s16+$0x0], $0xffff;
	_ =	sdelay $0x3  }
0xfd: {  	p0 =	sne.s32 s13, $0x1;
	s30 =	rddreg [dreg:$0x4]  }
.Ltmp1:
0xfe: {  	s31 =	rddreg [dreg:$0x15];
	[tilespmem:$0x100] =	vst v1;
	(pc) =	sbr.rel @p0 .LBB2_2-.Ltmp1, $4  }
0xff: {  	[hbm4b:s30+s2] =	stream.linear.scatter [tilespmem:s31], [sflag:$0x2], $0x10, $0x38;
	[tilespmem:$0x180] =	vst v63  }
0x100: {  	_ =	swait.ge [sflag:s14], $0x10  }
0x101: {  	[sflag:s14] =	ssyncset.done $0x0  }
0x102: {  	s13 =	sadd.s32 $0xFFFFFFFF, s13;
	[sflag:s14] =	ssyncadd.s32 $0xFFFFFFF0  }
.LBB2_3:
0x103: {  	_ =	sfence.sel $0x180000  }
0x104: {  	[bflag:$0x0] =	sbarrier.arrive $0xFFFF  }
0x105: {  	p0 =	sne.s32 s1, $0x0;
	_ =	strace $0x90000047  }
0x106: {  	s0 =	sadd.s32 @!p0 $0x100000, s0;
	[bflag:$0x2] =	sbarrier.arrive $0xFFFF  }
0x107: {  	[sflag:s0] =	ssyncadd.tile.s32 @!p0 $0x1;
	_ =	shalt  }
.Lfunc_end2:
_tile_overlayer_lowered:
.L_overlay_start_2:
0x108: {  	(tag) =	ssettag $0x2  }
0x109: {  	s0 =	rddreg [dreg:$0x0];
	s2 =	stileid.u32  }
0x10a: {  	s1 =	rddreg [dreg:$0x1];
	p0 =	sne.s32 s2, $0x0  }
0x10b: {  	s3 =	rddreg [dreg:$0x2];
	[bflag:$0x3] =	sbarrier.arrive $0xFFFF;
	s2 =	simm.s32 @!p0 $0x1C02  }
0x10c: {  	[timem:s3], [sflag:s2] =	dma.local @!p0 [hbm:s0], s1  }
0x10d: {  	s0 =	simm.s32 @!p0 $0x2  }
0x10e: {  	_ =	swait.ge @!p0 [sflag:s0], s1  }
0x10f: {  	s1 =	ssub.s32 @!p0 $0x0, s1;
	[sflag:s0] =	ssyncset.done @!p0 $0x0  }
0x110: {  	[sflag:s0] =	ssyncadd.s32 @!p0 s1  }
0x111: {  	[bflag:$0x3] =	sbarrier.arrive $0xFFFF  }
0x112: {  	_ =	shalt  }

</sc_bundles>
